<compile_context>
chip_gen: v7x
topology: tpu7x:2x2x1
jax: 0.10.2.dev20260603
libtpu: 0.0.44.dev20260713+nightly
codegen_flags: <defaults>
</compile_context>

<pallas_src>
import functools

import jax
import jax.numpy as jnp
import numpy as np
from jax import lax
from jax.experimental import pallas as pl
from jax.experimental.pallas import tpu as pltpu
from jax.experimental.pallas import tpu_sc as plsc

NBITS = 4
D = 512
NPAT = 16
NSEQ = 4096
SEQ = 50
NSC_SEQ = 3072
BSC = NSC_SEQ * SEQ
IDXR = BSC // 128
NREP = 32
R = 40
NBUF = 4
BLK = 32
ABLK = 64

_SEL = np.zeros((4 * 128, 128), dtype=np.float32)
for _c in range(128):
    for _b in range(NBITS):
        _SEL[4 * _c + _b, _c] = float(1 << _b)


def _tc1_body(e0_ref, e1_ref, w_ref, b_ref, g_ref, bb_ref, tok_ref, sel_ref,
              table_ref, idx_ref, dmat_ref, c0_ref):
    col = lax.broadcasted_iota(jnp.int32, (NPAT, D), 1)
    row = lax.broadcasted_iota(jnp.int32, (NPAT, D), 0)
    bit = ((row >> (col >> 7)) & 1).astype(jnp.float32)
    e0 = e0_ref[...]
    e1 = e1_ref[...]
    x = e0 + bit * (e1 - e0)
    y = lax.dot_general(x, w_ref[...], (((1,), (1,)), ((), ())),
                        preferred_element_type=jnp.float32)
    y = y + b_ref[...]
    mean = jnp.mean(y, axis=1, keepdims=True)
    var = jnp.mean(jnp.square(y - mean), axis=1, keepdims=True)
    yn = (y - mean) * lax.rsqrt(var + 1e-5)
    yn = yn * g_ref[...] + bb_ref[...]
    tab = yn * jax.nn.sigmoid(yn)
    table_ref[...] = jnp.broadcast_to(tab.reshape(1, NPAT, D),
                                      (NREP, NPAT, D))
    bcol = lax.broadcasted_iota(jnp.int32, (NBITS, D), 0)
    dcol = lax.broadcasted_iota(jnp.int32, (NBITS, D), 1)
    m = jnp.where((dcol >> 7) == bcol, (e1 - e0), 0.0)
    dmat_ref[...] = lax.dot_general(m, w_ref[...], (((1,), (1,)), ((), ())),
                                    preferred_element_type=jnp.float32)
    c0_ref[...] = lax.dot_general(e0, w_ref[...], (((1,), (1,)), ((), ())),
                                  preferred_element_type=jnp.float32) + b_ref[...]
    t = jnp.clip(tok_ref[...], 0, 1).astype(jnp.float32)
    idx_f = lax.dot_general(t, sel_ref[...], (((1,), (0,)), ((), ())),
                            preferred_element_type=jnp.float32)
    rr = lax.broadcasted_iota(jnp.int32, (IDXR, 128), 0)
    idx_ref[...] = idx_f.astype(jnp.int32) + lax.rem(rr, NREP) * NPAT


def _tc1_call(e0, e1, W, b2, g2, bb2, tok2, sel):
    return pl.pallas_call(
        _tc1_body,
        out_shape=(
            jax.ShapeDtypeStruct((NREP, NPAT, D), jnp.float32),
            jax.ShapeDtypeStruct((IDXR, 128), jnp.int32),
            jax.ShapeDtypeStruct((NBITS, D), jnp.float32),
            jax.ShapeDtypeStruct((1, D), jnp.float32),
        ),
    )(e0, e1, W, b2, g2, bb2, tok2, sel)


def _sc_call(table, idx_flat):
    info = plsc.get_sparse_core_info()
    nw = info.num_cores * info.num_subcores
    c_per = BSC // nw
    nch = c_per // R
    mesh = plsc.VectorSubcoreMesh(core_axis_name="c", subcore_axis_name="s")

    @functools.partial(
        pl.kernel,
        mesh=mesh,
        out_type=jax.ShapeDtypeStruct((BSC, D), jnp.float32),
        scratch_types=[
            pltpu.VMEM((c_per,), jnp.int32),
            pltpu.VMEM((NBUF, R, D), jnp.float32),
            pltpu.SemaphoreType.DMA,
            pltpu.SemaphoreType.DMA,
        ],
    )
    def k(table_hbm, idx_hbm, out_hbm, idx_v, rows_v, sem_g, sem_w):
        wid = lax.axis_index("s") * info.num_cores + lax.axis_index("c")
        base = wid * c_per
        pltpu.sync_copy(idx_hbm.at[pl.ds(base, c_per)], idx_v)

        def gather(ck):
            return pltpu.make_async_copy(
                table_hbm.at[idx_v.at[pl.ds(ck * R, R)]],
                rows_v.at[lax.rem(ck, NBUF)], sem_g)

        def write(ck):
            return pltpu.make_async_copy(
                rows_v.at[lax.rem(ck, NBUF)],
                out_hbm.at[pl.ds(base + ck * R, R)], sem_w)

        for j in range(NBUF - 1):
            gather(j).start()

        def body(ck, carry):
            gather(ck).wait()
            write(ck).start()
            nxt = ck + NBUF - 1

            @pl.when(nxt < nch)
            def _():
                @pl.when(nxt >= NBUF)
                def _():
                    write(nxt - NBUF).wait()
                gather(nxt).start()

            return carry

        lax.fori_loop(0, nch, body, 0)
        for j in range(max(0, nch - NBUF), nch):
            write(j).wait()

    return k(table, idx_flat)


def _dense_body(tok_ref, dmat_ref, c0_ref, g_ref, bb_ref, out_ref):
    t = jnp.clip(tok_ref[...], 0, 1).astype(jnp.float32)
    y = lax.dot_general(t, dmat_ref[...], (((2,), (0,)), ((), ())),
                        preferred_element_type=jnp.float32)
    y = y + c0_ref[...].reshape(1, 1, D)
    mean = jnp.mean(y, axis=2, keepdims=True)
    var = jnp.mean(jnp.square(y - mean), axis=2, keepdims=True)
    yn = (y - mean) * lax.rsqrt(var + 1e-5)
    yn = yn * g_ref[...].reshape(1, 1, D) + bb_ref[...].reshape(1, 1, D)
    out_ref[...] = yn * jax.nn.sigmoid(yn)


def _dense_call(tokens, dmat, c0, g2, bb2):
    n_dense = NSEQ - NSC_SEQ
    grid = n_dense // BLK
    return pl.pallas_call(
        _dense_body,
        grid=(grid,),
        in_specs=[
            pl.BlockSpec((BLK, SEQ, NBITS),
                         lambda g: (NSC_SEQ // BLK + g, 0, 0)),
            pl.BlockSpec((NBITS, D), lambda g: (0, 0)),
            pl.BlockSpec((1, D), lambda g: (0, 0)),
            pl.BlockSpec((1, D), lambda g: (0, 0)),
            pl.BlockSpec((1, D), lambda g: (0, 0)),
        ],
        out_specs=pl.BlockSpec((BLK, SEQ, D),
                               lambda g: (NSC_SEQ // BLK + g, 0, 0)),
        out_shape=jax.ShapeDtypeStruct((NSEQ, SEQ, D), jnp.float32),
    )(tokens, dmat, c0, g2, bb2)


def _asm_body(temp_ref, buf_ref, out_ref):
    out_ref[...] = temp_ref[...].reshape(ABLK, SEQ, D)


def _asm_call(temp, buf):
    grid = NSC_SEQ // ABLK
    return pl.pallas_call(
        _asm_body,
        grid=(grid,),
        in_specs=[
            pl.BlockSpec((ABLK * SEQ, D), lambda g: (g, 0)),
            pl.BlockSpec(memory_space=pl.ANY),
        ],
        out_specs=pl.BlockSpec((ABLK, SEQ, D), lambda g: (g, 0, 0)),
        out_shape=jax.ShapeDtypeStruct((NSEQ, SEQ, D), jnp.float32),
        input_output_aliases={1: 0},
    )(temp, buf)


def kernel(tokens, emb, W, b, gamma, beta):
    tok2 = tokens[:NSC_SEQ].reshape(IDXR, 4 * 128)
    e0 = emb[:, 0, :].reshape(1, D)
    e1 = emb[:, 1, :].reshape(1, D)
    g2 = gamma.reshape(1, D)
    bb2 = beta.reshape(1, D)
    sel = jnp.asarray(_SEL)
    table, idx, dmat, c0 = _tc1_call(e0, e1, W, b.reshape(1, D), g2, bb2,
                                     tok2, sel)
    temp = _sc_call(table.reshape(NREP * NPAT, D), idx.reshape(-1))
    buf = _dense_call(tokens, dmat, c0, g2, bb2)
    return _asm_call(temp, buf)

# --- scband reference (transcript-rebuilt; emitter-appended) ---
"""Pipeline reference for scband-token-encoder-18511309045930 (READ-ONLY COPY).

The authoritative reference and input builder live on the scoring server;
editing this copy changes nothing except your own understanding.
"""

import jax, jax.numpy as jnp
import numpy as np

NUM_BITS = 4
VOCAB_SIZE = 2
TOKEN_EMBED_DIM = 128
EMBED_DIM = 512


def setup_inputs(seed: int = 0) -> dict:
    key = jax.random.key(seed)
    k_tok, k_emb, k_w, k_b = jax.random.split(key, 4)
    tokens = jax.random.randint(k_tok, (4096, 50, NUM_BITS), 0, VOCAB_SIZE, dtype=jnp.int64 if jax.config.jax_enable_x64 else jnp.int32)
    tokens = tokens.astype(jnp.int32)
    # stacked per-bit embedding tables: [NUM_BITS, VOCAB_SIZE, TOKEN_EMBED_DIM]
    emb = jax.random.normal(k_emb, (NUM_BITS, VOCAB_SIZE, TOKEN_EMBED_DIM), dtype=jnp.float32) * 0.02
    # torch nn.Linear weight layout: [out_features, in_features]
    W = jax.random.normal(k_w, (EMBED_DIM, NUM_BITS * TOKEN_EMBED_DIM), dtype=jnp.float32) * (1.0 / np.sqrt(NUM_BITS * TOKEN_EMBED_DIM))
    b = jax.random.normal(k_b, (EMBED_DIM,), dtype=jnp.float32) * 0.01
    gamma = jnp.ones((EMBED_DIM,), dtype=jnp.float32)
    beta = jnp.zeros((EMBED_DIM,), dtype=jnp.float32)
    return {"tokens": tokens, "emb": emb, "W": W, "b": b, "gamma": gamma, "beta": beta}


def reference(tokens, emb, W, b, gamma, beta):
    # per-bit embedding lookup (gather) then concat
    parts = [jnp.take(emb[i], tokens[..., i], axis=0) for i in range(NUM_BITS)]
    x = jnp.concatenate(parts, axis=-1)  # (..., 512)
    # linear projection
    y = jnp.einsum('...i,oi->...o', x, W) + b
    # layernorm
    mean = jnp.mean(y, axis=-1, keepdims=True)
    var = jnp.mean(jnp.square(y - mean), axis=-1, keepdims=True)
    yn = (y - mean) / jnp.sqrt(var + 1e-5)
    yn = yn * gamma + beta
    # silu
    return yn * jax.nn.sigmoid(yn)

if __name__ == "__main__":
    import jax
    _d = setup_inputs()
    print(jax.jit(kernel)(*tuple(_d.values())))

</pallas_src>

<mosaic_0001>
#map = affine_map<(d0, d1) -> (0, 0)>
#map1 = affine_map<(d0, d1) -> (0)>
module attributes {stable_mosaic.version = 14 : i64} {
  func.func @k(%arg0: i32, %arg1: i32, %arg2: memref<512x512xf32, #tpu.memory_space<hbm>>, %arg3: memref<153600xi32, #tpu.memory_space<hbm>>, %arg4: memref<153600x512xf32, #tpu.memory_space<hbm>>, %arg5: memref<4800xi32, #tpu.memory_space<vmem>>, %arg6: memref<4x40x512xf32, #tpu.memory_space<vmem>>, %arg7: memref<!tpu.dma_semaphore, #tpu.memory_space<semaphore_mem>>, %arg8: memref<!tpu.dma_semaphore, #tpu.memory_space<semaphore_mem>>) attributes {dimension_semantics = [#tpu.dimension_semantics<core_parallel>, #tpu.dimension_semantics<subcore_parallel>], iteration_bounds = array<i64: 2, 16>, scalar_prefetch = 0 : i64, scratch_operands = 4 : i64, tpu.core_type = #tpu.core_type<sc_vector_subcore>, window_params = [{transform_indices = #map}, {transform_indices = #map1}, {transform_indices = #map}]} {
    %mul3A = arith.constant 2 : i32
    %mul3A_0 = arith.muli %arg1, %mul3A : i32
    %add3A = arith.addi %mul3A_0, %arg0 : i32
    %mul3A_1 = arith.constant 4800 : i32
    %mul3A_2 = arith.muli %add3A, %mul3A_1 : i32
    "tpu.region"() ({
      %run_scoped3A = tpu.sem_alloc : memref<!tpu.dma_semaphore, #tpu.memory_space<semaphore_mem>>
      %dma_start3A_109 = tpu.memref_slice %arg3[%mul3A_2] : memref<153600xi32, #tpu.memory_space<hbm>> -> memref<4800xi32, #tpu.memory_space<hbm>>
      %dma_start3A_110 = tpu.memref_slice %arg3[%mul3A_2] : memref<153600xi32, #tpu.memory_space<hbm>> -> memref<4800xi32, #tpu.memory_space<hbm>>
      tpu.enqueue_dma source(%dma_start3A_110 : memref<4800xi32, #tpu.memory_space<hbm>>) target(%arg5 : memref<4800xi32, #tpu.memory_space<vmem>>) target_semaphore(%run_scoped3A : memref<!tpu.dma_semaphore, #tpu.memory_space<semaphore_mem>>)
      %dma_wait3A_111 = tpu.memref_slice %arg3[%mul3A_2] : memref<153600xi32, #tpu.memory_space<hbm>> -> memref<4800xi32, #tpu.memory_space<hbm>>
      %dma_wait3A_112 = tpu.memref_slice %arg3[%mul3A_2] : memref<153600xi32, #tpu.memory_space<hbm>> -> memref<4800xi32, #tpu.memory_space<hbm>>
      tpu.wait_dma2 semaphore(%run_scoped3A : memref<!tpu.dma_semaphore, #tpu.memory_space<semaphore_mem>>) src(%dma_wait3A_112 : memref<4800xi32, #tpu.memory_space<hbm>>) dst(%arg5 : memref<4800xi32, #tpu.memory_space<vmem>>)
      tpu.yield
    }) : () -> ()
    %rem3A = arith.constant 0 : i32
    %rem3A_3 = arith.constant 4 : i32
    %rem3A_4 = arith.remsi %rem3A, %rem3A_3 : i32
    %dma_start3A = arith.constant 0 : i32
    %dma_start3A_5 = arith.constant 0 : i32
    %dma_start3A_6 = tpu.memref_slice %arg6[%rem3A_4, %dma_start3A, %dma_start3A_5] : memref<4x40x512xf32, #tpu.memory_space<vmem>> -> memref<1x40x512xf32, #tpu.memory_space<vmem>>
    %dma_start3A_7 = tpu.memref_squeeze %dma_start3A_6 : memref<1x40x512xf32, #tpu.memory_space<vmem>> -> memref<40x512xf32, #tpu.memory_space<vmem>>
    %dma_start3A_8 = arith.constant 0 : i32
    %dma_start3A_9 = tpu.memref_slice %arg5[%dma_start3A_8] : memref<4800xi32, #tpu.memory_space<vmem>> -> memref<40xi32, #tpu.memory_space<vmem>>
    %dma_start3A_10 = arith.constant 0 : i32
    %dma_start3A_11 = arith.constant 0 : i32
    %dma_start3A_12 = tpu.memref_slice %arg2[%dma_start3A_10, %dma_start3A_11] : memref<512x512xf32, #tpu.memory_space<hbm>> -> memref<512x512xf32, #tpu.memory_space<hbm>>
    tpu.enqueue_indirect_dma source(%dma_start3A_12 : memref<512x512xf32, #tpu.memory_space<hbm>>) target(%dma_start3A_7 : memref<40x512xf32, #tpu.memory_space<vmem>>) offsets(%dma_start3A_9 : memref<40xi32, #tpu.memory_space<vmem>>) semaphore(%arg7 : memref<!tpu.dma_semaphore, #tpu.memory_space<semaphore_mem>>)
    %rem3A_13 = arith.constant 1 : i32
    %rem3A_14 = arith.constant 4 : i32
    %rem3A_15 = arith.remsi %rem3A_13, %rem3A_14 : i32
    %dma_start3A_16 = arith.constant 0 : i32
    %dma_start3A_17 = arith.constant 0 : i32
    %dma_start3A_18 = tpu.memref_slice %arg6[%rem3A_15, %dma_start3A_16, %dma_start3A_17] : memref<4x40x512xf32, #tpu.memory_space<vmem>> -> memref<1x40x512xf32, #tpu.memory_space<vmem>>
    %dma_start3A_19 = tpu.memref_squeeze %dma_start3A_18 : memref<1x40x512xf32, #tpu.memory_space<vmem>> -> memref<40x512xf32, #tpu.memory_space<vmem>>
    %dma_start3A_20 = arith.constant 40 : i32
    %dma_start3A_21 = tpu.memref_slice %arg5[%dma_start3A_20] : memref<4800xi32, #tpu.memory_space<vmem>> -> memref<40xi32, #tpu.memory_space<vmem>>
    %dma_start3A_22 = arith.constant 0 : i32
    %dma_start3A_23 = arith.constant 0 : i32
    %dma_start3A_24 = tpu.memref_slice %arg2[%dma_start3A_22, %dma_start3A_23] : memref<512x512xf32, #tpu.memory_space<hbm>> -> memref<512x512xf32, #tpu.memory_space<hbm>>
    tpu.enqueue_indirect_dma source(%dma_start3A_24 : memref<512x512xf32, #tpu.memory_space<hbm>>) target(%dma_start3A_19 : memref<40x512xf32, #tpu.memory_space<vmem>>) offsets(%dma_start3A_21 : memref<40xi32, #tpu.memory_space<vmem>>) semaphore(%arg7 : memref<!tpu.dma_semaphore, #tpu.memory_space<semaphore_mem>>)
    %rem3A_25 = arith.constant 2 : i32
    %rem3A_26 = arith.constant 4 : i32
    %rem3A_27 = arith.remsi %rem3A_25, %rem3A_26 : i32
    %dma_start3A_28 = arith.constant 0 : i32
    %dma_start3A_29 = arith.constant 0 : i32
    %dma_start3A_30 = tpu.memref_slice %arg6[%rem3A_27, %dma_start3A_28, %dma_start3A_29] : memref<4x40x512xf32, #tpu.memory_space<vmem>> -> memref<1x40x512xf32, #tpu.memory_space<vmem>>
    %dma_start3A_31 = tpu.memref_squeeze %dma_start3A_30 : memref<1x40x512xf32, #tpu.memory_space<vmem>> -> memref<40x512xf32, #tpu.memory_space<vmem>>
    %dma_start3A_32 = arith.constant 80 : i32
    %dma_start3A_33 = tpu.memref_slice %arg5[%dma_start3A_32] : memref<4800xi32, #tpu.memory_space<vmem>> -> memref<40xi32, #tpu.memory_space<vmem>>
    %dma_start3A_34 = arith.constant 0 : i32
    %dma_start3A_35 = arith.constant 0 : i32
    %dma_start3A_36 = tpu.memref_slice %arg2[%dma_start3A_34, %dma_start3A_35] : memref<512x512xf32, #tpu.memory_space<hbm>> -> memref<512x512xf32, #tpu.memory_space<hbm>>
    tpu.enqueue_indirect_dma source(%dma_start3A_36 : memref<512x512xf32, #tpu.memory_space<hbm>>) target(%dma_start3A_31 : memref<40x512xf32, #tpu.memory_space<vmem>>) offsets(%dma_start3A_33 : memref<40xi32, #tpu.memory_space<vmem>>) semaphore(%arg7 : memref<!tpu.dma_semaphore, #tpu.memory_space<semaphore_mem>>)
    %scan3A = arith.constant 0 : i32
    %scan3A_37 = arith.constant 0 : i32
    %scan3A_38 = arith.constant 120 : i32
    %scan3A_39 = arith.addi %scan3A_37, %scan3A_38 : i32
    %scan3A_40 = arith.constant 1 : i32
    scf.for %scan3A_109 = %scan3A_37 to %scan3A_39 step %scan3A_40  : i32 {
      %mul3A_110 = arith.constant 40 : i32
      %mul3A_111 = arith.muli %scan3A_109, %mul3A_110 : i32
      %rem3A_112 = arith.constant 4 : i32
      %rem3A_113 = arith.remsi %scan3A_109, %rem3A_112 : i32
      %dma_wait3A_114 = arith.constant 0 : i32
      %dma_wait3A_115 = arith.constant 0 : i32
      %dma_wait3A_116 = tpu.memref_slice %arg6[%rem3A_113, %dma_wait3A_114, %dma_wait3A_115] : memref<4x40x512xf32, #tpu.memory_space<vmem>> -> memref<1x40x512xf32, #tpu.memory_space<vmem>>
      %dma_wait3A_117 = tpu.memref_squeeze %dma_wait3A_116 : memref<1x40x512xf32, #tpu.memory_space<vmem>> -> memref<40x512xf32, #tpu.memory_space<vmem>>
      %dma_wait3A_118 = tpu.memref_slice %arg5[%mul3A_111] : memref<4800xi32, #tpu.memory_space<vmem>> -> memref<40xi32, #tpu.memory_space<vmem>>
      %dma_wait3A_119 = arith.constant 0 : i32
      %dma_wait3A_120 = arith.constant 0 : i32
      %dma_wait3A_121 = tpu.memref_slice %arg2[%dma_wait3A_119, %dma_wait3A_120] : memref<512x512xf32, #tpu.memory_space<hbm>> -> memref<512x512xf32, #tpu.memory_space<hbm>>
      tpu.wait_indirect_dma semaphore(%arg7 : memref<!tpu.dma_semaphore, #tpu.memory_space<semaphore_mem>>) src(%dma_wait3A_121 : memref<512x512xf32, #tpu.memory_space<hbm>>) dst(%dma_wait3A_117 : memref<40x512xf32, #tpu.memory_space<vmem>>)
      %rem3A_122 = arith.constant 4 : i32
      %rem3A_123 = arith.remsi %scan3A_109, %rem3A_122 : i32
      %mul3A_124 = arith.constant 40 : i32
      %mul3A_125 = arith.muli %scan3A_109, %mul3A_124 : i32
      %add3A_126 = arith.addi %mul3A_2, %mul3A_125 : i32
      %dma_start3A_127 = arith.constant 0 : i32
      %dma_start3A_128 = arith.constant 0 : i32
      %dma_start3A_129 = tpu.memref_slice %arg6[%rem3A_123, %dma_start3A_127, %dma_start3A_128] : memref<4x40x512xf32, #tpu.memory_space<vmem>> -> memref<1x40x512xf32, #tpu.memory_space<vmem>>
      %dma_start3A_130 = tpu.memref_squeeze %dma_start3A_129 : memref<1x40x512xf32, #tpu.memory_space<vmem>> -> memref<40x512xf32, #tpu.memory_space<vmem>>
      %dma_start3A_131 = arith.constant 0 : i32
      %dma_start3A_132 = tpu.memref_slice %arg4[%add3A_126, %dma_start3A_131] : memref<153600x512xf32, #tpu.memory_space<hbm>> -> memref<40x512xf32, #tpu.memory_space<hbm>>
      %dma_start3A_133 = arith.constant 0 : i32
      %dma_start3A_134 = tpu.memref_slice %arg4[%add3A_126, %dma_start3A_133] : memref<153600x512xf32, #tpu.memory_space<hbm>> -> memref<40x512xf32, #tpu.memory_space<hbm>>
      %dma_start3A_135 = arith.constant 0 : i32
      %dma_start3A_136 = arith.constant 0 : i32
      %dma_start3A_137 = tpu.memref_slice %arg6[%rem3A_123, %dma_start3A_135, %dma_start3A_136] : memref<4x40x512xf32, #tpu.memory_space<vmem>> -> memref<1x40x512xf32, #tpu.memory_space<vmem>>
      %dma_start3A_138 = tpu.memref_squeeze %dma_start3A_137 : memref<1x40x512xf32, #tpu.memory_space<vmem>> -> memref<40x512xf32, #tpu.memory_space<vmem>>
      tpu.enqueue_dma source(%dma_start3A_138 : memref<40x512xf32, #tpu.memory_space<vmem>>) target(%dma_start3A_134 : memref<40x512xf32, #tpu.memory_space<hbm>>) target_semaphore(%arg8 : memref<!tpu.dma_semaphore, #tpu.memory_space<semaphore_mem>>)
      %add3A_139 = arith.constant 4 : i32
      %add3A_140 = arith.addi %scan3A_109, %add3A_139 : i32
      %sub3A = arith.constant 1 : i32
      %sub3A_141 = arith.subi %add3A_140, %sub3A : i32
      %lt3A = arith.constant 120 : i32
      %lt3A_142 = arith.cmpi slt, %sub3A_141, %lt3A : i32
      %convert_element_type3A = arith.extui %lt3A_142 : i1 to i32
      %cond3A = arith.constant 0 : i32
      %cond3A_143 = arith.cmpi ne, %convert_element_type3A, %cond3A : i32
      scf.if %cond3A_143 {
        %ge3A = arith.constant 4 : i32
        %ge3A_144 = arith.cmpi sge, %sub3A_141, %ge3A : i32
        %convert_element_type3A_145 = arith.extui %ge3A_144 : i1 to i32
        %cond3A_146 = arith.constant 0 : i32
        %cond3A_147 = arith.cmpi ne, %convert_element_type3A_145, %cond3A_146 : i32
        scf.if %cond3A_147 {
          %sub3A_160 = arith.constant 4 : i32
          %sub3A_161 = arith.subi %sub3A_141, %sub3A_160 : i32
          %rem3A_162 = arith.constant 4 : i32
          %rem3A_163 = arith.remsi %sub3A_161, %rem3A_162 : i32
          %mul3A_164 = arith.constant 40 : i32
          %mul3A_165 = arith.muli %sub3A_161, %mul3A_164 : i32
          %add3A_166 = arith.addi %mul3A_2, %mul3A_165 : i32
          %dma_wait3A_167 = arith.constant 0 : i32
          %dma_wait3A_168 = arith.constant 0 : i32
          %dma_wait3A_169 = tpu.memref_slice %arg6[%rem3A_163, %dma_wait3A_167, %dma_wait3A_168] : memref<4x40x512xf32, #tpu.memory_space<vmem>> -> memref<1x40x512xf32, #tpu.memory_space<vmem>>
          %dma_wait3A_170 = tpu.memref_squeeze %dma_wait3A_169 : memref<1x40x512xf32, #tpu.memory_space<vmem>> -> memref<40x512xf32, #tpu.memory_space<vmem>>
          %dma_wait3A_171 = arith.constant 0 : i32
          %dma_wait3A_172 = tpu.memref_slice %arg4[%add3A_166, %dma_wait3A_171] : memref<153600x512xf32, #tpu.memory_space<hbm>> -> memref<40x512xf32, #tpu.memory_space<hbm>>
          %dma_wait3A_173 = arith.constant 0 : i32
          %dma_wait3A_174 = tpu.memref_slice %arg4[%add3A_166, %dma_wait3A_173] : memref<153600x512xf32, #tpu.memory_space<hbm>> -> memref<40x512xf32, #tpu.memory_space<hbm>>
          %dma_wait3A_175 = arith.constant 0 : i32
          %dma_wait3A_176 = arith.constant 0 : i32
          %dma_wait3A_177 = tpu.memref_slice %arg6[%rem3A_163, %dma_wait3A_175, %dma_wait3A_176] : memref<4x40x512xf32, #tpu.memory_space<vmem>> -> memref<1x40x512xf32, #tpu.memory_space<vmem>>
          %dma_wait3A_178 = tpu.memref_squeeze %dma_wait3A_177 : memref<1x40x512xf32, #tpu.memory_space<vmem>> -> memref<40x512xf32, #tpu.memory_space<vmem>>
          tpu.wait_dma2 semaphore(%arg8 : memref<!tpu.dma_semaphore, #tpu.memory_space<semaphore_mem>>) src(%dma_wait3A_178 : memref<40x512xf32, #tpu.memory_space<vmem>>) dst(%dma_wait3A_174 : memref<40x512xf32, #tpu.memory_space<hbm>>)
        } else {
        }
        %mul3A_148 = arith.constant 40 : i32
        %mul3A_149 = arith.muli %sub3A_141, %mul3A_148 : i32
        %rem3A_150 = arith.constant 4 : i32
        %rem3A_151 = arith.remsi %sub3A_141, %rem3A_150 : i32
        %dma_start3A_152 = arith.constant 0 : i32
        %dma_start3A_153 = arith.constant 0 : i32
        %dma_start3A_154 = tpu.memref_slice %arg6[%rem3A_151, %dma_start3A_152, %dma_start3A_153] : memref<4x40x512xf32, #tpu.memory_space<vmem>> -> memref<1x40x512xf32, #tpu.memory_space<vmem>>
        %dma_start3A_155 = tpu.memref_squeeze %dma_start3A_154 : memref<1x40x512xf32, #tpu.memory_space<vmem>> -> memref<40x512xf32, #tpu.memory_space<vmem>>
        %dma_start3A_156 = tpu.memref_slice %arg5[%mul3A_149] : memref<4800xi32, #tpu.memory_space<vmem>> -> memref<40xi32, #tpu.memory_space<vmem>>
        %dma_start3A_157 = arith.constant 0 : i32
        %dma_start3A_158 = arith.constant 0 : i32
        %dma_start3A_159 = tpu.memref_slice %arg2[%dma_start3A_157, %dma_start3A_158] : memref<512x512xf32, #tpu.memory_space<hbm>> -> memref<512x512xf32, #tpu.memory_space<hbm>>
        tpu.enqueue_indirect_dma source(%dma_start3A_159 : memref<512x512xf32, #tpu.memory_space<hbm>>) target(%dma_start3A_155 : memref<40x512xf32, #tpu.memory_space<vmem>>) offsets(%dma_start3A_156 : memref<40xi32, #tpu.memory_space<vmem>>) semaphore(%arg7 : memref<!tpu.dma_semaphore, #tpu.memory_space<semaphore_mem>>)
      } else {
      }
    }
    %scan3A_41 = arith.constant 120 : i32
    %rem3A_42 = arith.constant 116 : i32
    %rem3A_43 = arith.constant 4 : i32
    %rem3A_44 = arith.remsi %rem3A_42, %rem3A_43 : i32
    %add3A_45 = arith.constant 4640 : i32
    %add3A_46 = arith.addi %mul3A_2, %add3A_45 : i32
    %dma_wait3A = arith.constant 0 : i32
    %dma_wait3A_47 = arith.constant 0 : i32
    %dma_wait3A_48 = tpu.memref_slice %arg6[%rem3A_44, %dma_wait3A, %dma_wait3A_47] : memref<4x40x512xf32, #tpu.memory_space<vmem>> -> memref<1x40x512xf32, #tpu.memory_space<vmem>>
    %dma_wait3A_49 = tpu.memref_squeeze %dma_wait3A_48 : memref<1x40x512xf32, #tpu.memory_space<vmem>> -> memref<40x512xf32, #tpu.memory_space<vmem>>
    %dma_wait3A_50 = arith.constant 0 : i32
    %dma_wait3A_51 = tpu.memref_slice %arg4[%add3A_46, %dma_wait3A_50] : memref<153600x512xf32, #tpu.memory_space<hbm>> -> memref<40x512xf32, #tpu.memory_space<hbm>>
    %dma_wait3A_52 = arith.constant 0 : i32
    %dma_wait3A_53 = tpu.memref_slice %arg4[%add3A_46, %dma_wait3A_52] : memref<153600x512xf32, #tpu.memory_space<hbm>> -> memref<40x512xf32, #tpu.memory_space<hbm>>
    %dma_wait3A_54 = arith.constant 0 : i32
    %dma_wait3A_55 = arith.constant 0 : i32
    %dma_wait3A_56 = tpu.memref_slice %arg6[%rem3A_44, %dma_wait3A_54, %dma_wait3A_55] : memref<4x40x512xf32, #tpu.memory_space<vmem>> -> memref<1x40x512xf32, #tpu.memory_space<vmem>>
    %dma_wait3A_57 = tpu.memref_squeeze %dma_wait3A_56 : memref<1x40x512xf32, #tpu.memory_space<vmem>> -> memref<40x512xf32, #tpu.memory_space<vmem>>
    tpu.wait_dma2 semaphore(%arg8 : memref<!tpu.dma_semaphore, #tpu.memory_space<semaphore_mem>>) src(%dma_wait3A_57 : memref<40x512xf32, #tpu.memory_space<vmem>>) dst(%dma_wait3A_53 : memref<40x512xf32, #tpu.memory_space<hbm>>)
    %rem3A_58 = arith.constant 117 : i32
    %rem3A_59 = arith.constant 4 : i32
    %rem3A_60 = arith.remsi %rem3A_58, %rem3A_59 : i32
    %add3A_61 = arith.constant 4680 : i32
    %add3A_62 = arith.addi %mul3A_2, %add3A_61 : i32
    %dma_wait3A_63 = arith.constant 0 : i32
    %dma_wait3A_64 = arith.constant 0 : i32
    %dma_wait3A_65 = tpu.memref_slice %arg6[%rem3A_60, %dma_wait3A_63, %dma_wait3A_64] : memref<4x40x512xf32, #tpu.memory_space<vmem>> -> memref<1x40x512xf32, #tpu.memory_space<vmem>>
    %dma_wait3A_66 = tpu.memref_squeeze %dma_wait3A_65 : memref<1x40x512xf32, #tpu.memory_space<vmem>> -> memref<40x512xf32, #tpu.memory_space<vmem>>
    %dma_wait3A_67 = arith.constant 0 : i32
    %dma_wait3A_68 = tpu.memref_slice %arg4[%add3A_62, %dma_wait3A_67] : memref<153600x512xf32, #tpu.memory_space<hbm>> -> memref<40x512xf32, #tpu.memory_space<hbm>>
    %dma_wait3A_69 = arith.constant 0 : i32
    %dma_wait3A_70 = tpu.memref_slice %arg4[%add3A_62, %dma_wait3A_69] : memref<153600x512xf32, #tpu.memory_space<hbm>> -> memref<40x512xf32, #tpu.memory_space<hbm>>
    %dma_wait3A_71 = arith.constant 0 : i32
    %dma_wait3A_72 = arith.constant 0 : i32
    %dma_wait3A_73 = tpu.memref_slice %arg6[%rem3A_60, %dma_wait3A_71, %dma_wait3A_72] : memref<4x40x512xf32, #tpu.memory_space<vmem>> -> memref<1x40x512xf32, #tpu.memory_space<vmem>>
    %dma_wait3A_74 = tpu.memref_squeeze %dma_wait3A_73 : memref<1x40x512xf32, #tpu.memory_space<vmem>> -> memref<40x512xf32, #tpu.memory_space<vmem>>
    tpu.wait_dma2 semaphore(%arg8 : memref<!tpu.dma_semaphore, #tpu.memory_space<semaphore_mem>>) src(%dma_wait3A_74 : memref<40x512xf32, #tpu.memory_space<vmem>>) dst(%dma_wait3A_70 : memref<40x512xf32, #tpu.memory_space<hbm>>)
    %rem3A_75 = arith.constant 118 : i32
    %rem3A_76 = arith.constant 4 : i32
    %rem3A_77 = arith.remsi %rem3A_75, %rem3A_76 : i32
    %add3A_78 = arith.constant 4720 : i32
    %add3A_79 = arith.addi %mul3A_2, %add3A_78 : i32
    %dma_wait3A_80 = arith.constant 0 : i32
    %dma_wait3A_81 = arith.constant 0 : i32
    %dma_wait3A_82 = tpu.memref_slice %arg6[%rem3A_77, %dma_wait3A_80, %dma_wait3A_81] : memref<4x40x512xf32, #tpu.memory_space<vmem>> -> memref<1x40x512xf32, #tpu.memory_space<vmem>>
    %dma_wait3A_83 = tpu.memref_squeeze %dma_wait3A_82 : memref<1x40x512xf32, #tpu.memory_space<vmem>> -> memref<40x512xf32, #tpu.memory_space<vmem>>
    %dma_wait3A_84 = arith.constant 0 : i32
    %dma_wait3A_85 = tpu.memref_slice %arg4[%add3A_79, %dma_wait3A_84] : memref<153600x512xf32, #tpu.memory_space<hbm>> -> memref<40x512xf32, #tpu.memory_space<hbm>>
    %dma_wait3A_86 = arith.constant 0 : i32
    %dma_wait3A_87 = tpu.memref_slice %arg4[%add3A_79, %dma_wait3A_86] : memref<153600x512xf32, #tpu.memory_space<hbm>> -> memref<40x512xf32, #tpu.memory_space<hbm>>
    %dma_wait3A_88 = arith.constant 0 : i32
    %dma_wait3A_89 = arith.constant 0 : i32
    %dma_wait3A_90 = tpu.memref_slice %arg6[%rem3A_77, %dma_wait3A_88, %dma_wait3A_89] : memref<4x40x512xf32, #tpu.memory_space<vmem>> -> memref<1x40x512xf32, #tpu.memory_space<vmem>>
    %dma_wait3A_91 = tpu.memref_squeeze %dma_wait3A_90 : memref<1x40x512xf32, #tpu.memory_space<vmem>> -> memref<40x512xf32, #tpu.memory_space<vmem>>
    tpu.wait_dma2 semaphore(%arg8 : memref<!tpu.dma_semaphore, #tpu.memory_space<semaphore_mem>>) src(%dma_wait3A_91 : memref<40x512xf32, #tpu.memory_space<vmem>>) dst(%dma_wait3A_87 : memref<40x512xf32, #tpu.memory_space<hbm>>)
    %rem3A_92 = arith.constant 119 : i32
    %rem3A_93 = arith.constant 4 : i32
    %rem3A_94 = arith.remsi %rem3A_92, %rem3A_93 : i32
    %add3A_95 = arith.constant 4760 : i32
    %add3A_96 = arith.addi %mul3A_2, %add3A_95 : i32
    %dma_wait3A_97 = arith.constant 0 : i32
    %dma_wait3A_98 = arith.constant 0 : i32
    %dma_wait3A_99 = tpu.memref_slice %arg6[%rem3A_94, %dma_wait3A_97, %dma_wait3A_98] : memref<4x40x512xf32, #tpu.memory_space<vmem>> -> memref<1x40x512xf32, #tpu.memory_space<vmem>>
    %dma_wait3A_100 = tpu.memref_squeeze %dma_wait3A_99 : memref<1x40x512xf32, #tpu.memory_space<vmem>> -> memref<40x512xf32, #tpu.memory_space<vmem>>
    %dma_wait3A_101 = arith.constant 0 : i32
    %dma_wait3A_102 = tpu.memref_slice %arg4[%add3A_96, %dma_wait3A_101] : memref<153600x512xf32, #tpu.memory_space<hbm>> -> memref<40x512xf32, #tpu.memory_space<hbm>>
    %dma_wait3A_103 = arith.constant 0 : i32
    %dma_wait3A_104 = tpu.memref_slice %arg4[%add3A_96, %dma_wait3A_103] : memref<153600x512xf32, #tpu.memory_space<hbm>> -> memref<40x512xf32, #tpu.memory_space<hbm>>
    %dma_wait3A_105 = arith.constant 0 : i32
    %dma_wait3A_106 = arith.constant 0 : i32
    %dma_wait3A_107 = tpu.memref_slice %arg6[%rem3A_94, %dma_wait3A_105, %dma_wait3A_106] : memref<4x40x512xf32, #tpu.memory_space<vmem>> -> memref<1x40x512xf32, #tpu.memory_space<vmem>>
    %dma_wait3A_108 = tpu.memref_squeeze %dma_wait3A_107 : memref<1x40x512xf32, #tpu.memory_space<vmem>> -> memref<40x512xf32, #tpu.memory_space<vmem>>
    tpu.wait_dma2 semaphore(%arg8 : memref<!tpu.dma_semaphore, #tpu.memory_space<semaphore_mem>>) src(%dma_wait3A_108 : memref<40x512xf32, #tpu.memory_space<vmem>>) dst(%dma_wait3A_104 : memref<40x512xf32, #tpu.memory_space<hbm>>)
    return
  }
}

module attributes {stable_mosaic.version = 14 : i64} {
  func.func @_tc1_body(%arg0: memref<1x512xf32, #tpu.memory_space<vmem>>, %arg1: memref<1x512xf32, #tpu.memory_space<vmem>>, %arg2: memref<512x512xf32, #tpu.memory_space<vmem>>, %arg3: memref<1x512xf32, #tpu.memory_space<vmem>>, %arg4: memref<1x512xf32, #tpu.memory_space<vmem>>, %arg5: memref<1x512xf32, #tpu.memory_space<vmem>>, %arg6: memref<1200x512xi32, #tpu.memory_space<vmem>>, %arg7: memref<512x128xf32, #tpu.memory_space<vmem>>, %arg8: memref<32x16x512xf32, #tpu.memory_space<vmem>>, %arg9: memref<1200x128xi32, #tpu.memory_space<vmem>>, %arg10: memref<4x512xf32, #tpu.memory_space<vmem>>, %arg11: memref<1x512xf32, #tpu.memory_space<vmem>>) attributes {dimension_semantics = [], scalar_prefetch = 0 : i64, scratch_operands = 0 : i64, tpu.core_type = #tpu.core_type<tc>} {
    %iota3A = tpu.iota {dimensions = array<i32: 1>} : vector<16x512xi32>
    %iota3A_0 = tpu.iota {dimensions = array<i32: 0>} : vector<16x512xi32>
    %shift_right_arithmetic3A = arith.constant 7 : i32
    %shift_right_arithmetic3A_1 = vector.broadcast %shift_right_arithmetic3A : i32 to vector<16x512xi32>
    %shift_right_arithmetic3A_2 = arith.shrsi %iota3A, %shift_right_arithmetic3A_1 : vector<16x512xi32>
    %shift_right_arithmetic3A_3 = arith.shrsi %iota3A_0, %shift_right_arithmetic3A_2 : vector<16x512xi32>
    %and3A = arith.constant 1 : i32
    %and3A_4 = vector.broadcast %and3A : i32 to vector<16x512xi32>
    %and3A_5 = arith.andi %shift_right_arithmetic3A_3, %and3A_4 : vector<16x512xi32>
    %convert_element_type3A = arith.sitofp %and3A_5 : vector<16x512xi32> to vector<16x512xf32>
    %get3A = arith.constant 0 : index
    %get3A_6 = arith.constant 0 : index
    %get3A_7 = vector.load %arg0[%get3A, %get3A_6] : memref<1x512xf32, #tpu.memory_space<vmem>>, vector<1x512xf32>
    %get3A_8 = arith.constant 0 : index
    %get3A_9 = arith.constant 0 : index
    %get3A_10 = vector.load %arg1[%get3A_8, %get3A_9] : memref<1x512xf32, #tpu.memory_space<vmem>>, vector<1x512xf32>
    %sub3A = arith.subf %get3A_10, %get3A_7 : vector<1x512xf32>
    %mul3A = vector.broadcast %sub3A : vector<1x512xf32> to vector<16x512xf32>
    %mul3A_11 = arith.mulf %convert_element_type3A, %mul3A : vector<16x512xf32>
    %add3A = vector.broadcast %get3A_7 : vector<1x512xf32> to vector<16x512xf32>
    %add3A_12 = arith.addf %add3A, %mul3A_11 : vector<16x512xf32>
    %get3A_13 = arith.constant 0 : index
    %get3A_14 = arith.constant 0 : index
    %get3A_15 = vector.load %arg2[%get3A_13, %get3A_14] : memref<512x512xf32, #tpu.memory_space<vmem>>, vector<512x512xf32>
    %dot_general3A = arith.constant dense<0.000000e+00> : vector<16x512xf32>
    %dot_general3A_16 = tpu.matmul %add3A_12, %get3A_15, %dot_general3A {dimension_numbers = #tpu.dot_dimension_numbers<[1], [1], [0], [0], [0, 0, 1, 0], [], []>, transpose_lhs_hint = false} : vector<16x512xf32>, vector<512x512xf32>, vector<16x512xf32> -> vector<16x512xf32>
    %get3A_17 = arith.constant 0 : index
    %get3A_18 = arith.constant 0 : index
    %get3A_19 = vector.load %arg3[%get3A_17, %get3A_18] : memref<1x512xf32, #tpu.memory_space<vmem>>, vector<1x512xf32>
    %add3A_20 = vector.broadcast %get3A_19 : vector<1x512xf32> to vector<16x512xf32>
    %add3A_21 = arith.addf %dot_general3A_16, %add3A_20 : vector<16x512xf32>
    %reduce_sum3A = arith.constant dense<0.000000e+00> : vector<16xf32>
    %reduce_sum3A_22 = vector.multi_reduction <add>, %add3A_21, %reduce_sum3A [1] : vector<16x512xf32> to vector<16xf32>
    %broadcast_in_dim3A = vector.shape_cast %reduce_sum3A_22 : vector<16xf32> to vector<16x1xf32>
    %div3A = arith.constant 5.120000e+02 : f32
    %div3A_23 = vector.broadcast %div3A : f32 to vector<16x1xf32>
    %div3A_24 = arith.divf %broadcast_in_dim3A, %div3A_23 : vector<16x1xf32>
    %sub3A_25 = vector.broadcast %div3A_24 : vector<16x1xf32> to vector<16x512xf32>
    %sub3A_26 = arith.subf %add3A_21, %sub3A_25 : vector<16x512xf32>
    %square3A = arith.mulf %sub3A_26, %sub3A_26 : vector<16x512xf32>
    %reduce_sum3A_27 = arith.constant dense<0.000000e+00> : vector<16xf32>
    %reduce_sum3A_28 = vector.multi_reduction <add>, %square3A, %reduce_sum3A_27 [1] : vector<16x512xf32> to vector<16xf32>
    %broadcast_in_dim3A_29 = vector.shape_cast %reduce_sum3A_28 : vector<16xf32> to vector<16x1xf32>
    %div3A_30 = arith.constant 5.120000e+02 : f32
    %div3A_31 = vector.broadcast %div3A_30 : f32 to vector<16x1xf32>
    %div3A_32 = arith.divf %broadcast_in_dim3A_29, %div3A_31 : vector<16x1xf32>
    %sub3A_33 = vector.broadcast %div3A_24 : vector<16x1xf32> to vector<16x512xf32>
    %sub3A_34 = arith.subf %add3A_21, %sub3A_33 : vector<16x512xf32>
    %add3A_35 = arith.constant 9.99999974E-6 : f32
    %add3A_36 = vector.broadcast %add3A_35 : f32 to vector<16x1xf32>
    %add3A_37 = arith.addf %div3A_32, %add3A_36 : vector<16x1xf32>
    %rsqrt3A = math.rsqrt %add3A_37 : vector<16x1xf32>
    %mul3A_38 = vector.broadcast %rsqrt3A : vector<16x1xf32> to vector<16x512xf32>
    %mul3A_39 = arith.mulf %sub3A_34, %mul3A_38 : vector<16x512xf32>
    %get3A_40 = arith.constant 0 : index
    %get3A_41 = arith.constant 0 : index
    %get3A_42 = vector.load %arg4[%get3A_40, %get3A_41] : memref<1x512xf32, #tpu.memory_space<vmem>>, vector<1x512xf32>
    %mul3A_43 = vector.broadcast %get3A_42 : vector<1x512xf32> to vector<16x512xf32>
    %mul3A_44 = arith.mulf %mul3A_39, %mul3A_43 : vector<16x512xf32>
    %get3A_45 = arith.constant 0 : index
    %get3A_46 = arith.constant 0 : index
    %get3A_47 = vector.load %arg5[%get3A_45, %get3A_46] : memref<1x512xf32, #tpu.memory_space<vmem>>, vector<1x512xf32>
    %add3A_48 = vector.broadcast %get3A_47 : vector<1x512xf32> to vector<16x512xf32>
    %add3A_49 = arith.addf %mul3A_44, %add3A_48 : vector<16x512xf32>
    %logistic3A = arith.negf %add3A_49 : vector<16x512xf32>
    %logistic3A_50 = math.exp %logistic3A : vector<16x512xf32>
    %logistic3A_51 = arith.constant 1.000000e+00 : f32
    %logistic3A_52 = vector.broadcast %logistic3A_51 : f32 to vector<16x512xf32>
    %logistic3A_53 = arith.addf %logistic3A_52, %logistic3A_50 : vector<16x512xf32>
    %logistic3A_54 = arith.divf %logistic3A_52, %logistic3A_53 : vector<16x512xf32>
    %mul3A_55 = arith.mulf %add3A_49, %logistic3A_54 : vector<16x512xf32>
    %reshape3A = vector.shape_cast %mul3A_55 : vector<16x512xf32> to vector<1x16x512xf32>
    %broadcast_in_dim3A_56 = vector.shape_cast %reshape3A : vector<1x16x512xf32> to vector<1x16x512xf32>
    %broadcast_in_dim3A_57 = vector.broadcast %broadcast_in_dim3A_56 : vector<1x16x512xf32> to vector<32x16x512xf32>
    %swap3A = arith.constant 0 : index
    %swap3A_58 = arith.constant 0 : index
    %swap3A_59 = arith.constant 0 : index
    %swap3A_60 = vector.load %arg8[%swap3A, %swap3A_58, %swap3A_59] : memref<32x16x512xf32, #tpu.memory_space<vmem>>, vector<32x16x512xf32>
    tpu.vector_store %arg8[%swap3A, %swap3A_58, %swap3A_59], %broadcast_in_dim3A_57 {strides = array<i32>} : memref<32x16x512xf32, #tpu.memory_space<vmem>>, vector<32x16x512xf32>,
    %iota3A_61 = tpu.iota {dimensions = array<i32: 0>} : vector<4x512xi32>
    %iota3A_62 = tpu.iota {dimensions = array<i32: 1>} : vector<4x512xi32>
    %shift_right_arithmetic3A_63 = arith.constant 7 : i32
    %shift_right_arithmetic3A_64 = vector.broadcast %shift_right_arithmetic3A_63 : i32 to vector<4x512xi32>
    %shift_right_arithmetic3A_65 = arith.shrsi %iota3A_62, %shift_right_arithmetic3A_64 : vector<4x512xi32>
    %eq3A = arith.cmpi eq, %shift_right_arithmetic3A_65, %iota3A_61 : vector<4x512xi32>
    %sub3A_66 = arith.subf %get3A_10, %get3A_7 : vector<1x512xf32>
    %jit3A = arith.constant 0.000000e+00 : f32
    %broadcast_in_dim3A_67 = vector.shape_cast %sub3A_66 : vector<1x512xf32> to vector<1x512xf32>
    %broadcast_in_dim3A_68 = vector.broadcast %broadcast_in_dim3A_67 : vector<1x512xf32> to vector<4x512xf32>
    %broadcast_in_dim3A_69 = vector.broadcast %jit3A : f32 to vector<4x512xf32>
    %select_n3A = arith.select %eq3A, %broadcast_in_dim3A_68, %broadcast_in_dim3A_69 : vector<4x512xi1>, vector<4x512xf32>
    %get3A_70 = arith.constant 0 : index
    %get3A_71 = arith.constant 0 : index
    %get3A_72 = vector.load %arg2[%get3A_70, %get3A_71] : memref<512x512xf32, #tpu.memory_space<vmem>>, vector<512x512xf32>
    %dot_general3A_73 = arith.constant dense<0.000000e+00> : vector<4x512xf32>
    %dot_general3A_74 = tpu.matmul %select_n3A, %get3A_72, %dot_general3A_73 {dimension_numbers = #tpu.dot_dimension_numbers<[1], [1], [0], [0], [0, 0, 1, 0], [], []>, transpose_lhs_hint = false} : vector<4x512xf32>, vector<512x512xf32>, vector<4x512xf32> -> vector<4x512xf32>
    %swap3A_75 = arith.constant 0 : index
    %swap3A_76 = arith.constant 0 : index
    %swap3A_77 = vector.load %arg10[%swap3A_75, %swap3A_76] : memref<4x512xf32, #tpu.memory_space<vmem>>, vector<4x512xf32>
    tpu.vector_store %arg10[%swap3A_75, %swap3A_76], %dot_general3A_74 {strides = array<i32>} : memref<4x512xf32, #tpu.memory_space<vmem>>, vector<4x512xf32>,
    %get3A_78 = arith.constant 0 : index
    %get3A_79 = arith.constant 0 : index
    %get3A_80 = vector.load %arg2[%get3A_78, %get3A_79] : memref<512x512xf32, #tpu.memory_space<vmem>>, vector<512x512xf32>
    %dot_general3A_81 = arith.constant dense<0.000000e+00> : vector<1x512xf32>
    %dot_general3A_82 = tpu.matmul %get3A_7, %get3A_80, %dot_general3A_81 {dimension_numbers = #tpu.dot_dimension_numbers<[1], [1], [0], [0], [0, 0, 1, 0], [], []>, transpose_lhs_hint = false} : vector<1x512xf32>, vector<512x512xf32>, vector<1x512xf32> -> vector<1x512xf32>
    %get3A_83 = arith.constant 0 : index
    %get3A_84 = arith.constant 0 : index
    %get3A_85 = vector.load %arg3[%get3A_83, %get3A_84] : memref<1x512xf32, #tpu.memory_space<vmem>>, vector<1x512xf32>
    %add3A_86 = arith.addf %dot_general3A_82, %get3A_85 : vector<1x512xf32>
    %swap3A_87 = arith.constant 0 : index
    %swap3A_88 = arith.constant 0 : index
    %swap3A_89 = vector.load %arg11[%swap3A_87, %swap3A_88] : memref<1x512xf32, #tpu.memory_space<vmem>>, vector<1x512xf32>
    tpu.vector_store %arg11[%swap3A_87, %swap3A_88], %add3A_86 {strides = array<i32>} : memref<1x512xf32, #tpu.memory_space<vmem>>, vector<1x512xf32>,
    %get3A_90 = arith.constant 0 : index
    %get3A_91 = arith.constant 0 : index
    %get3A_92 = vector.load %arg6[%get3A_90, %get3A_91] : memref<1200x512xi32, #tpu.memory_space<vmem>>, vector<1200x512xi32>
    %jit3A_93 = arith.constant 0 : i32
    %jit3A_94 = arith.constant 1 : i32
    %max3A = vector.broadcast %jit3A_93 : i32 to vector<1200x512xi32>
    %max3A_95 = arith.maxsi %max3A, %get3A_92 : vector<1200x512xi32>
    %min3A = vector.broadcast %jit3A_94 : i32 to vector<1200x512xi32>
    %min3A_96 = arith.minsi %min3A, %max3A_95 : vector<1200x512xi32>
    %convert_element_type3A_97 = arith.sitofp %min3A_96 : vector<1200x512xi32> to vector<1200x512xf32>
    %get3A_98 = arith.constant 0 : index
    %get3A_99 = arith.constant 0 : index
    %get3A_100 = vector.load %arg7[%get3A_98, %get3A_99] : memref<512x128xf32, #tpu.memory_space<vmem>>, vector<512x128xf32>
    %dot_general3A_101 = arith.constant dense<0.000000e+00> : vector<1200x128xf32>
    %dot_general3A_102 = tpu.matmul %convert_element_type3A_97, %get3A_100, %dot_general3A_101 {dimension_numbers = #tpu.dot_dimension_numbers<[1], [0], [0], [1], [0, 0, 1, 1], [], []>, transpose_lhs_hint = false} : vector<1200x512xf32>, vector<512x128xf32>, vector<1200x128xf32> -> vector<1200x128xf32>
    %iota3A_103 = tpu.iota {dimensions = array<i32: 0>} : vector<1200x128xi32>
    %convert_element_type3A_104 = arith.fptosi %dot_general3A_102 : vector<1200x128xf32> to vector<1200x128xi32>
    %rem3A = arith.constant 32 : i32
    %rem3A_105 = vector.broadcast %rem3A : i32 to vector<1200x128xi32>
    %rem3A_106 = arith.remsi %iota3A_103, %rem3A_105 : vector<1200x128xi32>
    %mul3A_107 = arith.constant 16 : i32
    %mul3A_108 = vector.broadcast %mul3A_107 : i32 to vector<1200x128xi32>
    %mul3A_109 = arith.muli %rem3A_106, %mul3A_108 : vector<1200x128xi32>
    %add3A_110 = arith.addi %convert_element_type3A_104, %mul3A_109 : vector<1200x128xi32>
    %swap3A_111 = arith.constant 0 : index
    %swap3A_112 = arith.constant 0 : index
    %swap3A_113 = vector.load %arg9[%swap3A_111, %swap3A_112] : memref<1200x128xi32, #tpu.memory_space<vmem>>, vector<1200x128xi32>
    tpu.vector_store %arg9[%swap3A_111, %swap3A_112], %add3A_110 {strides = array<i32>} : memref<1200x128xi32, #tpu.memory_space<vmem>>, vector<1200x128xi32>,
    return
  }
}

module attributes {stable_mosaic.version = 14 : i64} {
  func.func @_dense_body(%arg0: i32, %arg1: memref<32x50x4xi32, #tpu.memory_space<vmem>>, %arg2: memref<4x512xf32, #tpu.memory_space<vmem>>, %arg3: memref<1x512xf32, #tpu.memory_space<vmem>>, %arg4: memref<1x512xf32, #tpu.memory_space<vmem>>, %arg5: memref<1x512xf32, #tpu.memory_space<vmem>>, %arg6: memref<32x50x512xf32, #tpu.memory_space<vmem>>) attributes {dimension_semantics = [#tpu.dimension_semantics<arbitrary>], iteration_bounds = array<i64: 32>, scalar_prefetch = 0 : i64, scratch_operands = 0 : i64, tpu.core_type = #tpu.core_type<tc>, window_params = [{transform_indices = @transform_0, window_bounds = array<i64: 32, 50, 4>}, {pipeline_mode = #tpu.pipeline_mode<synchronous>, transform_indices = @transform_1, window_bounds = array<i64: 4, 512>}, {pipeline_mode = #tpu.pipeline_mode<synchronous>, transform_indices = @transform_2, window_bounds = array<i64: 1, 512>}, {pipeline_mode = #tpu.pipeline_mode<synchronous>, transform_indices = @transform_3, window_bounds = array<i64: 1, 512>}, {pipeline_mode = #tpu.pipeline_mode<synchronous>, transform_indices = @transform_4, window_bounds = array<i64: 1, 512>}, {transform_indices = @transform_5, window_bounds = array<i64: 32, 50, 512>}]} {
    %get3A = arith.constant 0 : index
    %get3A_0 = arith.constant 0 : index
    %get3A_1 = arith.constant 0 : index
    %get3A_2 = vector.load %arg1[%get3A, %get3A_0, %get3A_1] : memref<32x50x4xi32, #tpu.memory_space<vmem>>, vector<32x50x4xi32>
    %jit3A = arith.constant 0 : i32
    %jit3A_3 = arith.constant 1 : i32
    %max3A = vector.broadcast %jit3A : i32 to vector<32x50x4xi32>
    %max3A_4 = arith.maxsi %max3A, %get3A_2 : vector<32x50x4xi32>
    %min3A = vector.broadcast %jit3A_3 : i32 to vector<32x50x4xi32>
    %min3A_5 = arith.minsi %min3A, %max3A_4 : vector<32x50x4xi32>
    %convert_element_type3A = arith.sitofp %min3A_5 : vector<32x50x4xi32> to vector<32x50x4xf32>
    %get3A_6 = arith.constant 0 : index
    %get3A_7 = arith.constant 0 : index
    %get3A_8 = vector.load %arg2[%get3A_6, %get3A_7] : memref<4x512xf32, #tpu.memory_space<vmem>>, vector<4x512xf32>
    %dot_general3A = arith.constant dense<0.000000e+00> : vector<32x50x512xf32>
    %dot_general3A_9 = tpu.matmul %convert_element_type3A, %get3A_8, %dot_general3A {dimension_numbers = #tpu.dot_dimension_numbers<[2], [0], [0, 1], [1], [0, 0, 0, 1, 1, 1], [], []>, transpose_lhs_hint = false} : vector<32x50x4xf32>, vector<4x512xf32>, vector<32x50x512xf32> -> vector<32x50x512xf32>
    %get3A_10 = arith.constant 0 : index
    %get3A_11 = arith.constant 0 : index
    %get3A_12 = vector.load %arg3[%get3A_10, %get3A_11] : memref<1x512xf32, #tpu.memory_space<vmem>>, vector<1x512xf32>
    %reshape3A = vector.shape_cast %get3A_12 : vector<1x512xf32> to vector<1x1x512xf32>
    %add3A = vector.broadcast %reshape3A : vector<1x1x512xf32> to vector<32x50x512xf32>
    %add3A_13 = arith.addf %dot_general3A_9, %add3A : vector<32x50x512xf32>
    %reduce_sum3A = arith.constant dense<0.000000e+00> : vector<32x50xf32>
    %reduce_sum3A_14 = vector.multi_reduction <add>, %add3A_13, %reduce_sum3A [2] : vector<32x50x512xf32> to vector<32x50xf32>
    %broadcast_in_dim3A = vector.shape_cast %reduce_sum3A_14 : vector<32x50xf32> to vector<32x50x1xf32>
    %div3A = arith.constant 5.120000e+02 : f32
    %div3A_15 = vector.broadcast %div3A : f32 to vector<32x50x1xf32>
    %div3A_16 = arith.divf %broadcast_in_dim3A, %div3A_15 : vector<32x50x1xf32>
    %sub3A = vector.broadcast %div3A_16 : vector<32x50x1xf32> to vector<32x50x512xf32>
    %sub3A_17 = arith.subf %add3A_13, %sub3A : vector<32x50x512xf32>
    %square3A = arith.mulf %sub3A_17, %sub3A_17 : vector<32x50x512xf32>
    %reduce_sum3A_18 = arith.constant dense<0.000000e+00> : vector<32x50xf32>
    %reduce_sum3A_19 = vector.multi_reduction <add>, %square3A, %reduce_sum3A_18 [2] : vector<32x50x512xf32> to vector<32x50xf32>
    %broadcast_in_dim3A_20 = vector.shape_cast %reduce_sum3A_19 : vector<32x50xf32> to vector<32x50x1xf32>
    %div3A_21 = arith.constant 5.120000e+02 : f32
    %div3A_22 = vector.broadcast %div3A_21 : f32 to vector<32x50x1xf32>
    %div3A_23 = arith.divf %broadcast_in_dim3A_20, %div3A_22 : vector<32x50x1xf32>
    %sub3A_24 = vector.broadcast %div3A_16 : vector<32x50x1xf32> to vector<32x50x512xf32>
    %sub3A_25 = arith.subf %add3A_13, %sub3A_24 : vector<32x50x512xf32>
    %add3A_26 = arith.constant 9.99999974E-6 : f32
    %add3A_27 = vector.broadcast %add3A_26 : f32 to vector<32x50x1xf32>
    %add3A_28 = arith.addf %div3A_23, %add3A_27 : vector<32x50x1xf32>
    %rsqrt3A = math.rsqrt %add3A_28 : vector<32x50x1xf32>
    %mul3A = vector.broadcast %rsqrt3A : vector<32x50x1xf32> to vector<32x50x512xf32>
    %mul3A_29 = arith.mulf %sub3A_25, %mul3A : vector<32x50x512xf32>
    %get3A_30 = arith.constant 0 : index
    %get3A_31 = arith.constant 0 : index
    %get3A_32 = vector.load %arg4[%get3A_30, %get3A_31] : memref<1x512xf32, #tpu.memory_space<vmem>>, vector<1x512xf32>
    %reshape3A_33 = vector.shape_cast %get3A_32 : vector<1x512xf32> to vector<1x1x512xf32>
    %mul3A_34 = vector.broadcast %reshape3A_33 : vector<1x1x512xf32> to vector<32x50x512xf32>
    %mul3A_35 = arith.mulf %mul3A_29, %mul3A_34 : vector<32x50x512xf32>
    %get3A_36 = arith.constant 0 : index
    %get3A_37 = arith.constant 0 : index
    %get3A_38 = vector.load %arg5[%get3A_36, %get3A_37] : memref<1x512xf32, #tpu.memory_space<vmem>>, vector<1x512xf32>
    %reshape3A_39 = vector.shape_cast %get3A_38 : vector<1x512xf32> to vector<1x1x512xf32>
    %add3A_40 = vector.broadcast %reshape3A_39 : vector<1x1x512xf32> to vector<32x50x512xf32>
    %add3A_41 = arith.addf %mul3A_35, %add3A_40 : vector<32x50x512xf32>
    %logistic3A = arith.negf %add3A_41 : vector<32x50x512xf32>
    %logistic3A_42 = math.exp %logistic3A : vector<32x50x512xf32>
    %logistic3A_43 = arith.constant 1.000000e+00 : f32
    %logistic3A_44 = vector.broadcast %logistic3A_43 : f32 to vector<32x50x512xf32>
    %logistic3A_45 = arith.addf %logistic3A_44, %logistic3A_42 : vector<32x50x512xf32>
    %logistic3A_46 = arith.divf %logistic3A_44, %logistic3A_45 : vector<32x50x512xf32>
    %mul3A_47 = arith.mulf %add3A_41, %logistic3A_46 : vector<32x50x512xf32>
    %swap3A = arith.constant 0 : index
    %swap3A_48 = arith.constant 0 : index
    %swap3A_49 = arith.constant 0 : index
    %swap3A_50 = vector.load %arg6[%swap3A, %swap3A_48, %swap3A_49] : memref<32x50x512xf32, #tpu.memory_space<vmem>>, vector<32x50x512xf32>
    tpu.vector_store %arg6[%swap3A, %swap3A_48, %swap3A_49], %mul3A_47 {strides = array<i32>} : memref<32x50x512xf32, #tpu.memory_space<vmem>>, vector<32x50x512xf32>,
    return
  }
  func.func @transform_0(%arg0: i32) -> (i32, i32, i32) {
    %add3A = arith.constant 96 : i32
    %add3A_0 = arith.addi %add3A, %arg0 : i32
    %c0_i32 = arith.constant 0 : i32
    %c0_i32_1 = arith.constant 0 : i32
    %c0_i32_2 = arith.constant 0 : i32
    return %add3A_0, %c0_i32, %c0_i32_1 : i32, i32, i32
  }
  func.func @transform_1(%arg0: i32) -> (i32, i32) {
    %c0_i32 = arith.constant 0 : i32
    %c0_i32_0 = arith.constant 0 : i32
    %c0_i32_1 = arith.constant 0 : i32
    return %c0_i32, %c0_i32_0 : i32, i32
  }
  func.func @transform_2(%arg0: i32) -> (i32, i32) {
    %c0_i32 = arith.constant 0 : i32
    %c0_i32_0 = arith.constant 0 : i32
    %c0_i32_1 = arith.constant 0 : i32
    return %c0_i32, %c0_i32_0 : i32, i32
  }
  func.func @transform_3(%arg0: i32) -> (i32, i32) {
    %c0_i32 = arith.constant 0 : i32
    %c0_i32_0 = arith.constant 0 : i32
    %c0_i32_1 = arith.constant 0 : i32
    return %c0_i32, %c0_i32_0 : i32, i32
  }
  func.func @transform_4(%arg0: i32) -> (i32, i32) {
    %c0_i32 = arith.constant 0 : i32
    %c0_i32_0 = arith.constant 0 : i32
    %c0_i32_1 = arith.constant 0 : i32
    return %c0_i32, %c0_i32_0 : i32, i32
  }
  func.func @transform_5(%arg0: i32) -> (i32, i32, i32) {
    %add3A = arith.constant 96 : i32
    %add3A_0 = arith.addi %add3A, %arg0 : i32
    %c0_i32 = arith.constant 0 : i32
    %c0_i32_1 = arith.constant 0 : i32
    %c0_i32_2 = arith.constant 0 : i32
    return %add3A_0, %c0_i32, %c0_i32_1 : i32, i32, i32
  }
}

module attributes {stable_mosaic.version = 14 : i64} {
  func.func @_asm_body(%arg0: i32, %arg1: memref<3200x512xf32, #tpu.memory_space<vmem>>, %arg2: memref<4096x50x512xf32, #tpu.memory_space<any>>, %arg3: memref<64x50x512xf32, #tpu.memory_space<vmem>>) attributes {dimension_semantics = [#tpu.dimension_semantics<arbitrary>], iteration_bounds = array<i64: 48>, scalar_prefetch = 0 : i64, scratch_operands = 0 : i64, tpu.core_type = #tpu.core_type<tc>, window_params = [{transform_indices = @transform_0, window_bounds = array<i64: 3200, 512>}, {}, {transform_indices = @transform_2, window_bounds = array<i64: 64, 50, 512>}]} {
    %get3A = arith.constant 0 : index
    %get3A_0 = arith.constant 0 : index
    %get3A_1 = vector.load %arg1[%get3A, %get3A_0] : memref<3200x512xf32, #tpu.memory_space<vmem>>, vector<3200x512xf32>
    %reshape3A = vector.shape_cast %get3A_1 : vector<3200x512xf32> to vector<64x50x512xf32>
    %swap3A = arith.constant 0 : index
    %swap3A_2 = arith.constant 0 : index
    %swap3A_3 = arith.constant 0 : index
    %swap3A_4 = vector.load %arg3[%swap3A, %swap3A_2, %swap3A_3] : memref<64x50x512xf32, #tpu.memory_space<vmem>>, vector<64x50x512xf32>
    tpu.vector_store %arg3[%swap3A, %swap3A_2, %swap3A_3], %reshape3A {strides = array<i32>} : memref<64x50x512xf32, #tpu.memory_space<vmem>>, vector<64x50x512xf32>,
    return
  }
  func.func @transform_0(%arg0: i32) -> (i32, i32) {
    %c0_i32 = arith.constant 0 : i32
    %c0_i32_0 = arith.constant 0 : i32
    return %arg0, %c0_i32 : i32, i32
  }
  func.func @transform_2(%arg0: i32) -> (i32, i32, i32) {
    %c0_i32 = arith.constant 0 : i32
    %c0_i32_0 = arith.constant 0 : i32
    %c0_i32_1 = arith.constant 0 : i32
    return %arg0, %c0_i32, %c0_i32_0 : i32, i32, i32
  }
}

</mosaic_0001>

<sc_bundles>
// kernel: kernel.6.cloned.1.call-start
scs
__scs_entry_jumppad:
0x0: {  	(pc) =	sbr.rel $0x88, $3  }
0x1: {  	(tag) =	ssettag $0x0;
	lr =	simm.s32 $0x1  }
0x2: {  	[smem:$0x3F9B] =	sst lr;
	_ =	strace $0xD0000000  }
0x3: {  	_ = 	snop  }
0x4: {  	_ = 	snop  }
0x5: {  	_ = 	snop  }
0x6: {  	_ = 	snop  }
0x7: {  	_ = 	snop  }
__scs_overlays_trampoline_lowered:
0x8: {  	[smem:$0x3FAA] =	sst s0  }
0x9: {  	[smem:$0x3FAB] =	sst s1  }
0xa: {  	[smem:$0x3FAC] =	sst s2  }
0xb: {  	[smem:$0x3FAD] =	sst s3  }
0xc: {  	[smem:$0x3FAE] =	sst s4  }
0xd: {  	[smem:$0x3FAF] =	sst s5  }
0xe: {  	[smem:$0x3FB0] =	sst s6  }
0xf: {  	[smem:$0x3FB1] =	sst s7  }
0x10: {  	[smem:$0x3FB2] =	sst s8  }
0x11: {  	[smem:$0x3FB3] =	sst s9;
	s0 =	simm.s32 @!p0 $0x0  }
0x12: {  	s1 =	sld [smem:$0x3F99];
	s0 =	simm.s32 @p0 $0x1  }
0x13: {  	[smem:$0x3FB4] =	sst s0;
	s0 =	simm.s32 @!p1 $0x0  }
0x14: {  	s2 =	sld [smem:$0x3F98];
	s0 =	simm.s32 @p1 $0x1  }
0x15: {  	[smem:$0x3FB5] =	sst s0;
	s0 =	simm.s32 @!p2 $0x0  }
0x16: {  	s3 =	sld [smem:$0x3FDB];
	s0 =	simm.s32 @p2 $0x1  }
0x17: {  	s4 =	simm.s32 $0x1BF5;
	[smem:$0x3FB7] =	sst s0  }
0x18: {  	s0 =	sld [smem:$0x3F9A];
	_ =	swait.ge [sflag:s4], $0x0  }
0x19: {  	s7 =	sld [smem:$0x3F9B]  }
0x1a: {  	s8 =	sadd.s32 $0xFFFFE003, lr  }
0x1b: {  	s9 =	sadd.s32 $0xFFFFFEF7, lr;
	s5 =	simm.s32 $0xFFFFFFFF;
	p2 =	slt.u32 s8, $0xFFFFF086  }
0x1c: {  	p1 =	slt.u32 s9, $0xF7A;
	s5 =	simm.s32 @!p2 $0x0  }
0x1d: {  	s5 =	simm.s32 @p1 $0x1;
	p0 =	seq.s32 s7, s2  }
0x1e: {  	s7 =	smul.u32 @!p0 $0xF7A, s2;
	p2 =	seq.s32 @!p0 s5, $0x0  }
0x1f: {  	s9 =	smul.u32 $0xF7A, s1;
	s8 =	simm.s32 @!p0 $0x1BF5;
	p2 =	por !p2, p0  }
0x20: {  	[sflag:s8] =	ssyncset.s32 @!p0 $0xFFFFF086;
	s6 =	sadd.s32 @!p0 s3, s7;
	s7 =	simm.s32 @!p0 $0x108  }
0x21: {  	s3 =	sadd.s32 s3, s9;
	s6 =	sadd.s32 @!p0 $0x88, s6;
	s7 =	simm.s32 @p2 $0x1082  }
0x22: {  	[simem:s7], [sflag:s8] =	dma.local @!p0 [hbm:s6], $0xF7A  }
0x23: {  	s9 =	sor.u32 $0xD0000000, s2;
	s6 =	simm.s32 $0x108;
	_ =	swait.ge @!p0 [sflag:s8], $0x0  }
0x24: {  	s3 =	sadd.s32 $0x88, s3;
	s6 =	simm.s32 @!p1 $0x1082;
	[sflag:s4] =	ssyncset.s32 $0xFFFFF086  }
0x25: {  	[simem:s6], [sflag:s4] =	dma.local [hbm:s3], $0xF7A  }
0x26: {  	[smem:$0x3F9B] =	sst s1;
	(tag) =	ssettag s2;
	_ =	strace s9  }
0x27: {  	s1 =	sld [smem:$0x3FAB]  }
0x28: {  	s2 =	sld [smem:$0x3FAC]  }
0x29: {  	s4 =	sld [smem:$0x3FAE]  }
0x2a: {  	p0 =	seq.s32 s5, $0x0;
	s5 =	sld [smem:$0x3FAF]  }
0x2b: {  	s6 =	sld [smem:$0x3FB0]  }
0x2c: {  	s7 =	sld [smem:$0x3FB1]  }
0x2d: {  	s3 =	simm.s32 $0x108;
	s8 =	sld [smem:$0x3FB2]  }
0x2e: {  	s3 =	simm.s32 @!p0 $0x1082;
	s9 =	sld [smem:$0x3FB3]  }
0x2f: {  	lr =	sadd.s32 s0, s3;
	s0 =	sld [smem:$0x3FAA]  }
0x30: {  	s3 =	sld [smem:$0x3FAD]  }
0x31: {  	[smem:$0x3FB6] =	sst s10  }
0x32: {  	s10 =	sld [smem:$0x3FB4];
	_ =	sdelay $0x3  }
0x33: {  	p0 =	seq.s32 s10, $0x1;
	s10 =	sld [smem:$0x3FB6];
	_ =	sdelay $0x3  }
0x34: {  	[smem:$0x3FB6] =	sst s10  }
0x35: {  	s10 =	sld [smem:$0x3FB5];
	_ =	sdelay $0x3  }
0x36: {  	p1 =	seq.s32 s10, $0x1;
	s10 =	sld [smem:$0x3FB6];
	_ =	sdelay $0x3  }
0x37: {  	[smem:$0x3FB6] =	sst s10  }
0x38: {  	s10 =	sld [smem:$0x3FB7]  }
0x39: {  	_ = 	snop;
	(pc) =	sbr.ind lr, $3  }
0x3a: {  	_ = 	snop  }
0x3b: {  	_ = 	snop  }
0x3c: {  	p2 =	seq.s32 s10, $0x1;
	s10 =	sld [smem:$0x3FB6]  }
0x3d: {  	_ =	shalt  }
0x3e: {  	_ =	shalt  }
0x3f: {  	_ =	shalt  }
0x40: {  	_ =	shalt  }
0x41: {  	_ =	shalt  }
0x42: {  	_ =	shalt  }
0x43: {  	_ =	shalt  }
0x44: {  	_ =	shalt  }
0x45: {  	_ =	shalt  }
0x46: {  	_ =	shalt  }
0x47: {  	_ =	shalt  }
0x48: {  	_ =	shalt  }
0x49: {  	_ =	shalt  }
0x4a: {  	_ =	shalt  }
0x4b: {  	_ =	shalt  }
0x4c: {  	_ =	shalt  }
0x4d: {  	_ =	shalt  }
0x4e: {  	_ =	shalt  }
0x4f: {  	_ =	shalt  }
0x50: {  	_ =	shalt  }
0x51: {  	_ =	shalt  }
0x52: {  	_ =	shalt  }
0x53: {  	_ =	shalt  }
0x54: {  	_ =	shalt  }
0x55: {  	_ =	shalt  }
0x56: {  	_ =	shalt  }
0x57: {  	_ =	shalt  }
0x58: {  	_ =	shalt  }
0x59: {  	_ =	shalt  }
0x5a: {  	_ =	shalt  }
0x5b: {  	_ =	shalt  }
0x5c: {  	_ =	shalt  }
0x5d: {  	_ =	shalt  }
0x5e: {  	_ =	shalt  }
0x5f: {  	_ =	shalt  }
0x60: {  	_ =	shalt  }
0x61: {  	_ =	shalt  }
0x62: {  	_ =	shalt  }
0x63: {  	_ =	shalt  }
0x64: {  	_ =	shalt  }
0x65: {  	_ =	shalt  }
0x66: {  	_ =	shalt  }
0x67: {  	_ =	shalt  }
0x68: {  	_ =	shalt  }
0x69: {  	_ =	shalt  }
0x6a: {  	_ =	shalt  }
0x6b: {  	_ =	shalt  }
0x6c: {  	_ =	shalt  }
0x6d: {  	_ =	shalt  }
0x6e: {  	_ =	shalt  }
0x6f: {  	_ =	shalt  }
0x70: {  	_ =	shalt  }
0x71: {  	_ =	shalt  }
0x72: {  	_ =	shalt  }
0x73: {  	_ =	shalt  }
0x74: {  	_ =	shalt  }
0x75: {  	_ =	shalt  }
0x76: {  	_ =	shalt  }
0x77: {  	_ =	shalt  }
0x78: {  	_ =	shalt  }
0x79: {  	_ =	shalt  }
0x7a: {  	_ =	shalt  }
0x7b: {  	_ =	shalt  }
0x7c: {  	_ =	shalt  }
0x7d: {  	_ =	shalt  }
0x7e: {  	_ =	shalt  }
0x7f: {  	_ =	shalt  }
0x80: {  	_ =	shalt  }
0x81: {  	_ =	shalt  }
0x82: {  	_ =	shalt  }
0x83: {  	_ =	shalt  }
0x84: {  	_ =	shalt  }
0x85: {  	_ =	shalt  }
0x86: {  	_ =	shalt  }
0x87: {  	_ =	shalt  }
.Lfunc_end0:
.L_simem_size_0:
called_computation_lowered:
.L_overlay_start_0:
0x88: {  	s2 =	sld [smem:$0x3FD9]  }
0x89: {  	s3 =	sld [smem:$0x3FFE];
	_ =	sdelay $0x1  }
0x8a: {  	s1 =	srdreg.scid  }
0x8b: {  	s0 =	sand.u32 $0x1, s1  }
0x8c: {  	s17 =	sshll.u32 s0, $0xA;
	s2 =	sadd.s32 s3, s2  }
0x8d: {  	s2 =	sadd.s32 s2, s17  }
0x8e: {  	[smem:$0x3FC2] =	sst s2  }
0x8f: {  	_ = 	snop  }
0x90: {  	s2 =	sld [smem:$0x3FD0];
	(tm) =	ssettm $0x1  }
0x91: {  	s18 =	sld [smem:$0x3FFB];
	_ =	sdelay $0x3  }
0x92: {  	_ =	strace s18  }
0x93: {  	s3 =	sld [smem:$0x3FFC];
	_ =	sdelay $0x3  }
0x94: {  	_ =	strace s3  }
0x95: {  	s3 =	sld [smem:$0x3FFD];
	_ =	sdelay $0x3  }
0x96: {  	_ =	strace s3  }
0x97: {  	_ =	strace $0x8FFFFFFF  }
0x98: {  	s19 =	sld [smem:$0x3FDB];
	_ =	sdelay $0x1  }
0x99: {  	s4 =	simm.s32 $_scs_section_size  }
0x9a: {  	s5 =	simm.s32 $_size__tile_overlayer_lowered;
	s6 =	simm.s32 $_tile_overlayer_lowered  }
0x9b: {  	s22 =	simm.s32 $0x1BFF;
	s21 =	sshll.u32 s6, $0x1;
	s3 =	sadd.s32 s4, s19  }
0x9c: {  	s7 =	simm.s32 $0x0;
	s20 =	sshll.u32 s5, $0x1;
	s5 =	sadd.s32 s21, s3  }
0x9d: {  	[timem:s7], [sflag:s22] =	dma.local [hbm:s5], s20  }
0x9e: {  	_ =	swait.ge [sflag:s22], s20  }
0x9f: {  	s4 =	ssub.s32 $0x0, s20;
	[sflag:s22] =	ssyncset.done $0x0  }
0xa0: {  	[sflag:s22] =	ssyncadd.s32 s4;
	_ =	sdelay $0x1  }
0xa1: {  	s23 =	simm.s32 $0x1B8B  }
0xa2: {  	_ =	swait.ge [sflag:s23], $0x1  }
0xa3: {  	[sflag:s23] =	ssyncset.done $0x0  }
0xa4: {  	s25 =	simm.s32 $0x1B8E;
	s24 =	sld [smem:$0x3FFE];
	[sflag:s23] =	ssyncadd.s32 $0xFFFFFFFF  }
0xa5: {  	s26 =	simm.s32 $execute0_lowered;
	[smem:$0x3FD2] =	sst s25  }
0xa6: {  	s5 =	sshll.u32 s26, $0x1;
	_ =	strace $0x80000046;
	[dreg:$0x1] =	wrdreg $0xFFFFFFFF  }
0xa7: {  	s28 =	simm.s32 $_size_execute0_lowered;
	s3 =	sadd.s32 s3, s5;
	[dreg:$0x0] =	wrdreg $0x0  }
0xa8: {  	s5 =	sshll.u32 s28, $0x1;
	[dreg:$0x2] =	wrdreg s3  }
0xa9: {  	[dreg:$0x3] =	wrdreg s5  }
0xaa: {  	[dreg:$0x4] =	wrdreg $0xC0  }
0xab: {  	_ =	task [dreg:s7], $0x5FFFF  }
0xac: {  	[dreg:$0x1] =	wrdreg $0xFFFFFFFF  }
0xad: {  	[dreg:$0x0] =	wrdreg $0x60  }
0xae: {  	[dreg:$0x2] =	wrdreg s24  }
0xaf: {  	[dreg:$0x3] =	wrdreg s2  }
0xb0: {  	[dreg:$0x4] =	wrdreg $0x9  }
0xb1: {  	_ =	task.clear_ibuf [dreg:s7], $0x5FFFF;
	_ =	strace $0x90000046  }
0xb2: {  	s29 =	simm.s32 $0x9;
	_ =	strace $0x80000048  }
0xb3: {  	_ =	swait.ge [sflag:s29], $0x1  }
0xb4: {  	[sflag:s29] =	ssyncadd.s32 $0xFFFFFFFF  }
0xb5: {  	_ =	strace $0x90000048  }
0xb6: {  	_ =	sfence  }
0xb7: {  	s30 =	sld [smem:$0x0];
	_ =	sdelay $0x2  }
0xb8: {  	s31 =	sshll.u32 s1, $0xD;
	s1 =	sshrl.u32 s1, $0x2  }
0xb9: {  	s3 =	sand.u32 $0x4000, s31;
	s1 =	sadd.s32 s1, s30  }
0xba: {  	s0 =	sor.u32 s3, s0;
	s1 =	sshll.u32 s1, $0x11  }
0xbb: {  	s0 =	sor.u32 s1, s0  }
0xbc: {  	s0 =	sadd.s32 $0x8F2B, s0  }
0xbd: {  	[sflag:s0] =	ssyncadd.remote.s32 $0x1  }
0xbe: {  	_ =	sfence.sel $0xFFFF  }
0xbf: {  	[dreg:$0x0] =	wrdreg $0xFFFFFFFF;
	(pc) =	sbr.abs _section_cstart, $3  }
0xc0: {  	[dreg:$0x1] =	wrdreg $0xFFFFFFFF  }
0xc1: {  	_ =	task.clear_ibuf [dreg:s7], $0x2FFFF;
	_ =	strace $0x9FFFFFFF  }
0xc2: {  	(tm) =	ssettm $0x7FFFFFFF  }
0xc3: {  	_ =	shalt  }
tec
execute0_lowered:
.L_overlay_start_1:
0x0: {  	(tag) =	ssettag $0x1  }
0x1: {  	s0 =	rddreg [dreg:$0x0];
	s1 =	srdreg.scid  }
0x2: {  	s8 =	stileid.u32;
	s6 =	rddreg [dreg:$0x1]  }
0x3: {  	s2 =	simm.s32 $0x0;
	s24 =	simm.s32 $0x8B00;
	s25 =	simm.s32 $0x9300  }
0x4: {  	s28 =	simm.s32 $0xA300;
	s29 =	simm.s32 $0xAB00;
	s30 =	simm.s32 $0xB300  }
0x5: {  	s31 =	simm.s32 $0xBB00;
	s9 =	simm.s32 $0xD300;
	s10 =	simm.s32 $0xDB00  }
0x6: {  	s11 =	simm.s32 $0xE300;
	s12 =	simm.s32 $0xEB00;
	s13 =	simm.s32 $0xF300  }
0x7: {  	s14 =	simm.s32 $0xFB00;
	s15 =	simm.s32 $0x1;
	s16 =	simm.s32 $0x2  }
0x8: {  	s17 =	simm.s32 $0x0;
	s1 =	sand.u32 $0x1, s1;
	s3 =	sshll.u32 s8, $0x1  }
0x9: {  	[smem:$0x7FF] =	sst s2;
	s8 =	smul.u32 $0x96000, s8;
	s3 =	sor.u32 s1, s3  }
0xa: {  	_ =	strace $0x80000047;
	s5 =	ssub.s32 $0x2, s1;
	s1 =	smul.u32 $0x4B000, s1  }
0xb: {  	s4 =	smul.u32 $0x12C0, s3;
	s3 =	sadd.s32 $0x2400, s0;
	s7 =	sshrl.u32 s5, $0x1  }
0xc: {  	s26 =	sadd.s32 s8, s6;
	s8 =	simm.s32 $0x3;
	s7 =	ssub.s32 s5, s7  }
0xd: {  	v2 =	vlaneseq.u32;
	s5 =	sadd.s32 $0x2500, s0;
	s19 =	sadd.s32 s1, s26;
	s4 =	sshrl.u32 s4, $0x3  }
0xe: {  	vm0 =	vmmov $0xffff;
	v1 =	vshrl.u32 v2, $0x3;
	s26 =	simm.s32 $0x9B00;
	s1 =	simm.s32 $0xC300;
	s4 =	sadd.s32 s4, s0  }
0xf: {  	v0 =	vand.u32 $0x7, v2;
	v2 =	vor.u32 $0x8, v2;
	v1 =	vmul.u32 $0x8, v1;
	s6 =	smax.u32 s7, $0x1;
	s0 =	simm.s32 $0xCB00;
	s4 =	sadd.s32 $0xA400, s4  }
.LBB2_1:
0x10: {  	[tilespmem:s2], [sflag:$0x3] =	stream.linear.gather [hbm4b:s4+s2], $0x12C0, $0x38;
	[tilespmem:$0x15300] =	vst v63  }
0x11: {  	_ =	swait.ge [sflag:s8], $0x12C0  }
0x12: {  	[sflag:s8] =	ssyncset.done $0x0  }
0x13: {  	[sflag:s8] =	ssyncadd.s32 $0xFFFFED40  }
0x14: {  	v3 =	vld [tilespmem:$0x0];
	_ =	sdelay $0x4  }
0x15: {  	v4 =	vshll.u32 v3, $0x2  }
0x16: {  	v3 =	vand.u32 $0x7, v3;
	v4 =	vand.u32 $0xFFFFFFE0, v4  }
0x17: {  	v3 =	vor.u32 v3, v4  }
0x18: {  	v4 =	vperm.xlane v3, v0;
	_ =	sdelay $0x1  }
0x19: {  	v4 =	vadd.s32 v1, v4;
	_ =	sdelay $0x1  }
0x1a: {  	v3 =	vperm.xlane v3, v2;
	_ =	sdelay $0x1  }
0x1b: {  	s7 =	simm.s32 $0x1300;
	v3 =	vadd.s32 v1, v3  }
0x1c: {  	[tilespmem:s7], [sflag:$0x1] =	stream.indirect_vreg.gather [hbm4b:s3+s2], $0x80, v4, vm0, $0xb8;
	[tilespmem:$0x15300] =	vst v63  }
0x1d: {  	s20 =	simm.s32 $0x1B00  }
0x1e: {  	[tilespmem:s20], [sflag:$0x1] =	stream.indirect_vreg.gather [hbm4b:s5+s2], $0x80, v4, vm0, $0xb8;
	[tilespmem:$0x15300] =	vst v63  }
0x1f: {  	s21 =	simm.s32 $0x2300  }
0x20: {  	[tilespmem:s21], [sflag:$0x1] =	stream.indirect_vreg.gather [hbm4b:s3+s2], $0x80, v3, vm0, $0xb8;
	[tilespmem:$0x15300] =	vst v63  }
0x21: {  	s22 =	simm.s32 $0x2B00  }
0x22: {  	[tilespmem:s22], [sflag:$0x1] =	stream.indirect_vreg.gather [hbm4b:s5+s2], $0x80, v3, vm0, $0xb8;
	[tilespmem:$0x15300] =	vst v63  }
0x23: {  	v3 =	vld [tilespmem:$0x10];
	_ =	sdelay $0x4  }
0x24: {  	v56 =	vshll.u32 v3, $0x2  }
0x25: {  	v3 =	vand.u32 $0x7, v3;
	v4 =	vand.u32 $0xFFFFFFE0, v56  }
0x26: {  	v3 =	vor.u32 v3, v4  }
0x27: {  	v4 =	vperm.xlane v3, v0;
	_ =	sdelay $0x1  }
0x28: {  	v4 =	vadd.s32 v1, v4;
	_ =	sdelay $0x1  }
0x29: {  	v3 =	vperm.xlane v3, v2;
	_ =	sdelay $0x1  }
0x2a: {  	s23 =	simm.s32 $0x3300;
	v3 =	vadd.s32 v1, v3  }
0x2b: {  	[tilespmem:s23], [sflag:$0x1] =	stream.indirect_vreg.gather [hbm4b:s3+s2], $0x80, v4, vm0, $0xb8;
	[tilespmem:$0x15300] =	vst v63  }
0x2c: {  	s18 =	simm.s32 $0x3B00  }
0x2d: {  	[tilespmem:s18], [sflag:$0x1] =	stream.indirect_vreg.gather [hbm4b:s5+s2], $0x80, v4, vm0, $0xb8;
	[tilespmem:$0x15300] =	vst v63  }
0x2e: {  	s20 =	simm.s32 $0x4300  }
0x2f: {  	[tilespmem:s20], [sflag:$0x1] =	stream.indirect_vreg.gather [hbm4b:s3+s2], $0x80, v3, vm0, $0xb8;
	[tilespmem:$0x15300] =	vst v63  }
0x30: {  	s21 =	simm.s32 $0x4B00  }
0x31: {  	[tilespmem:s21], [sflag:$0x1] =	stream.indirect_vreg.gather [hbm4b:s5+s2], $0x80, v3, vm0, $0xb8;
	[tilespmem:$0x15300] =	vst v63  }
0x32: {  	v3 =	vld.msk [tilespmem:$0x20], $0xff;
	_ =	sdelay $0x4  }
0x33: {  	v57 =	vshll.u32 v3, $0x2  }
0x34: {  	v3 =	vand.u32 $0x7, v3;
	v4 =	vand.u32 $0xFFFFFFE0, v57  }
0x35: {  	v3 =	vor.u32 v3, v4  }
0x36: {  	v3 =	vperm.xlane v3, v0;
	_ =	sdelay $0x1  }
0x37: {  	v3 =	vadd.s32 v1, v3;
	_ =	sdelay $0x3  }
0x38: {  	s22 =	simm.s32 $0x5300  }
0x39: {  	[tilespmem:s22], [sflag:$0x1] =	stream.indirect_vreg.gather [hbm4b:s3+s2], $0x80, v3, vm0, $0xb8;
	[tilespmem:$0x15300] =	vst v63  }
0x3a: {  	s23 =	simm.s32 $0x5B00  }
0x3b: {  	[tilespmem:s23], [sflag:$0x1] =	stream.indirect_vreg.gather [hbm4b:s5+s2], $0x80, v3, vm0, $0xb8;
	[tilespmem:$0x15300] =	vst v63  }
0x3c: {  	v3 =	vld [tilespmem:$0x28];
	_ =	sdelay $0x4  }
0x3d: {  	v58 =	vshll.u32 v3, $0x2  }
0x3e: {  	v3 =	vand.u32 $0x7, v3;
	v4 =	vand.u32 $0xFFFFFFE0, v58  }
0x3f: {  	v3 =	vor.u32 v3, v4  }
0x40: {  	v4 =	vperm.xlane v3, v0;
	_ =	sdelay $0x1  }
0x41: {  	v4 =	vadd.s32 v1, v4;
	_ =	sdelay $0x1  }
0x42: {  	v3 =	vperm.xlane v3, v2;
	_ =	sdelay $0x1  }
0x43: {  	s18 =	simm.s32 $0x6300;
	v3 =	vadd.s32 v1, v3  }
0x44: {  	[tilespmem:s18], [sflag:$0x1] =	stream.indirect_vreg.gather [hbm4b:s3+s2], $0x80, v4, vm0, $0xb8;
	[tilespmem:$0x15300] =	vst v63  }
0x45: {  	s20 =	simm.s32 $0x6B00  }
0x46: {  	[tilespmem:s20], [sflag:$0x1] =	stream.indirect_vreg.gather [hbm4b:s5+s2], $0x80, v4, vm0, $0xb8;
	[tilespmem:$0x15300] =	vst v63  }
0x47: {  	s21 =	simm.s32 $0x7300  }
0x48: {  	[tilespmem:s21], [sflag:$0x1] =	stream.indirect_vreg.gather [hbm4b:s3+s2], $0x80, v3, vm0, $0xb8;
	[tilespmem:$0x15300] =	vst v63  }
0x49: {  	s22 =	simm.s32 $0x7B00  }
0x4a: {  	[tilespmem:s22], [sflag:$0x1] =	stream.indirect_vreg.gather [hbm4b:s5+s2], $0x80, v3, vm0, $0xb8;
	[tilespmem:$0x15300] =	vst v63  }
0x4b: {  	v3 =	vld [tilespmem:$0x38];
	_ =	sdelay $0x4  }
0x4c: {  	v59 =	vshll.u32 v3, $0x2  }
0x4d: {  	v3 =	vand.u32 $0x7, v3;
	v4 =	vand.u32 $0xFFFFFFE0, v59  }
0x4e: {  	v3 =	vor.u32 v3, v4  }
0x4f: {  	v4 =	vperm.xlane v3, v0;
	_ =	sdelay $0x1  }
0x50: {  	v4 =	vadd.s32 v1, v4;
	_ =	sdelay $0x1  }
0x51: {  	v3 =	vperm.xlane v3, v2;
	_ =	sdelay $0x1  }
0x52: {  	s23 =	simm.s32 $0x8300;
	v3 =	vadd.s32 v1, v3  }
0x53: {  	[tilespmem:s23], [sflag:$0x1] =	stream.indirect_vreg.gather [hbm4b:s3+s2], $0x80, v4, vm0, $0xb8;
	[tilespmem:$0x15300] =	vst v63  }
0x54: {  	_ = 	snop  }
0x55: {  	[tilespmem:s24], [sflag:$0x1] =	stream.indirect_vreg.gather [hbm4b:s5+s2], $0x80, v4, vm0, $0xb8;
	[tilespmem:$0x15300] =	vst v63  }
0x56: {  	_ = 	snop  }
0x57: {  	[tilespmem:s25], [sflag:$0x1] =	stream.indirect_vreg.gather [hbm4b:s3+s2], $0x80, v3, vm0, $0xb8;
	[tilespmem:$0x15300] =	vst v63  }
0x58: {  	_ = 	snop  }
0x59: {  	[tilespmem:s26], [sflag:$0x1] =	stream.indirect_vreg.gather [hbm4b:s5+s2], $0x80, v3, vm0, $0xb8;
	[tilespmem:$0x15300] =	vst v63  }
0x5a: {  	v3 =	vld.msk [tilespmem:$0x48], $0xff;
	_ =	sdelay $0x4  }
0x5b: {  	v60 =	vshll.u32 v3, $0x2  }
0x5c: {  	v3 =	vand.u32 $0x7, v3;
	v4 =	vand.u32 $0xFFFFFFE0, v60  }
0x5d: {  	v3 =	vor.u32 v3, v4  }
0x5e: {  	v3 =	vperm.xlane v3, v0;
	_ =	sdelay $0x1  }
0x5f: {  	v3 =	vadd.s32 v1, v3;
	_ =	sdelay $0x4  }
0x60: {  	[tilespmem:s28], [sflag:$0x1] =	stream.indirect_vreg.gather [hbm4b:s3+s2], $0x80, v3, vm0, $0xb8;
	[tilespmem:$0x15300] =	vst v63  }
0x61: {  	_ = 	snop  }
0x62: {  	[tilespmem:s29], [sflag:$0x1] =	stream.indirect_vreg.gather [hbm4b:s5+s2], $0x80, v3, vm0, $0xb8;
	[tilespmem:$0x15300] =	vst v63  }
0x63: {  	v3 =	vld [tilespmem:$0x50];
	_ =	sdelay $0x4  }
0x64: {  	v61 =	vshll.u32 v3, $0x2  }
0x65: {  	v3 =	vand.u32 $0x7, v3;
	v4 =	vand.u32 $0xFFFFFFE0, v61  }
0x66: {  	v3 =	vor.u32 v3, v4  }
0x67: {  	v4 =	vperm.xlane v3, v0;
	_ =	sdelay $0x1  }
0x68: {  	v4 =	vadd.s32 v1, v4;
	_ =	sdelay $0x1  }
0x69: {  	v3 =	vperm.xlane v3, v2;
	_ =	sdelay $0x1  }
0x6a: {  	v3 =	vadd.s32 v1, v3  }
0x6b: {  	[tilespmem:s30], [sflag:$0x1] =	stream.indirect_vreg.gather [hbm4b:s3+s2], $0x80, v4, vm0, $0xb8;
	[tilespmem:$0x15300] =	vst v63  }
0x6c: {  	_ = 	snop  }
0x6d: {  	[tilespmem:s31], [sflag:$0x1] =	stream.indirect_vreg.gather [hbm4b:s5+s2], $0x80, v4, vm0, $0xb8;
	[tilespmem:$0x15300] =	vst v63  }
0x6e: {  	_ = 	snop  }
0x6f: {  	[tilespmem:s1], [sflag:$0x1] =	stream.indirect_vreg.gather [hbm4b:s3+s2], $0x80, v3, vm0, $0xb8;
	[tilespmem:$0x15300] =	vst v63  }
0x70: {  	_ = 	snop  }
0x71: {  	[tilespmem:s0], [sflag:$0x1] =	stream.indirect_vreg.gather [hbm4b:s5+s2], $0x80, v3, vm0, $0xb8;
	[tilespmem:$0x15300] =	vst v63  }
0x72: {  	v3 =	vld [tilespmem:$0x60];
	_ =	sdelay $0x4  }
0x73: {  	v62 =	vshll.u32 v3, $0x2  }
0x74: {  	v3 =	vand.u32 $0x7, v3;
	v4 =	vand.u32 $0xFFFFFFE0, v62  }
0x75: {  	v3 =	vor.u32 v3, v4  }
0x76: {  	v4 =	vperm.xlane v3, v0;
	_ =	sdelay $0x1  }
0x77: {  	v4 =	vadd.s32 v1, v4;
	_ =	sdelay $0x1  }
0x78: {  	v3 =	vperm.xlane v3, v2;
	_ =	sdelay $0x1  }
0x79: {  	v3 =	vadd.s32 v1, v3  }
0x7a: {  	[tilespmem:s9], [sflag:$0x1] =	stream.indirect_vreg.gather [hbm4b:s3+s2], $0x80, v4, vm0, $0xb8;
	[tilespmem:$0x15300] =	vst v63  }
0x7b: {  	_ = 	snop  }
0x7c: {  	[tilespmem:s10], [sflag:$0x1] =	stream.indirect_vreg.gather [hbm4b:s5+s2], $0x80, v4, vm0, $0xb8;
	[tilespmem:$0x15300] =	vst v63  }
0x7d: {  	_ = 	snop  }
0x7e: {  	[tilespmem:s11], [sflag:$0x1] =	stream.indirect_vreg.gather [hbm4b:s3+s2], $0x80, v3, vm0, $0xb8;
	[tilespmem:$0x15300] =	vst v63  }
0x7f: {  	_ = 	snop  }
0x80: {  	[tilespmem:s12], [sflag:$0x1] =	stream.indirect_vreg.gather [hbm4b:s5+s2], $0x80, v3, vm0, $0xb8;
	[tilespmem:$0x15300] =	vst v63  }
0x81: {  	v3 =	vld.msk [tilespmem:$0x70], $0xff;
	_ =	sdelay $0x4  }
0x82: {  	v63 =	vshll.u32 v3, $0x2  }
0x83: {  	v3 =	vand.u32 $0x7, v3;
	v4 =	vand.u32 $0xFFFFFFE0, v63  }
0x84: {  	v3 =	vor.u32 v3, v4  }
0x85: {  	v3 =	vperm.xlane v3, v0;
	_ =	sdelay $0x1  }
0x86: {  	v3 =	vadd.s32 v1, v3;
	_ =	sdelay $0x4  }
0x87: {  	[tilespmem:s13], [sflag:$0x1] =	stream.indirect_vreg.gather [hbm4b:s3+s2], $0x80, v3, vm0, $0xb8;
	[tilespmem:$0x15300] =	vst v63  }
0x88: {  	s7 =	smov.u32 s19;
	s18 =	simm.s32 $0x98;
	s20 =	simm.s32 $0x0  }
0x89: {  	[tilespmem:s14], [sflag:$0x1] =	stream.indirect_vreg.gather [hbm4b:s5+s2], $0x80, v3, vm0, $0xb8;
	[tilespmem:$0x15300] =	vst v63  }
.LBB2_2:
0x8a: {  	s21 =	sand.u32 $0x3, s20  }
0x8b: {  	s21 =	smul.u32 $0x14000, s21  }
0x8c: {  	_ =	swait.ge [sflag:s15], $0x5000;
	p0 =	sgt.u32 s20, $0x74  }
0x8d: {  	[sflag:s15] =	ssyncset.done $0x0;
	p1 =	seq.s32 @!p0 s20, $0x0;
	s21 =	sshrl.u32 s21, $0x2  }
0x8e: {  	[sflag:s15] =	ssyncadd.s32 $0xFFFFB000;
	p1 =	por p1, p0;
	s21 =	sadd.s32 $0x1300, s21  }
0x8f: {  	[hbm4b:s7+s2] =	stream.linear.scatter [tilespmem:s21], [sflag:$0x2], $0x5000, $0x38;
	[tilespmem:$0x15300] =	vst v63  }
0x90: {  	s21 =	simm.s32 @!p1 $0x2  }
0x91: {  	_ =	swait.ge @!p1 [sflag:s21], $0x5000  }
0x92: {  	[sflag:s21] =	ssyncset.done @!p1 $0x0  }
0x93: {  	[sflag:s21] =	ssyncadd.s32 @!p1 $0xFFFFB000  }
0x94: {  	v3 =	vld @!p0 [tilespmem:s18+$0xFFFFFFE0];
	_ =	sdelay $0x4  }
0x95: {  	v4 =	vshll.u32 @!p0 v3, $0x2  }
0x96: {  	v5 =	vlaneseq.u32 @!p0;
	v3 =	vand.u32 @!p0 $0x7, v3;
	v4 =	vand.u32 @!p0 $0xFFFFFFE0, v4  }
0x97: {  	v6 =	vshrl.u32 @!p0 v5, $0x3;
	v3 =	vor.u32 @!p0 v3, v4;
	v4 =	vand.u32 @!p0 $0x7, v5  }
0x98: {  	v6 =	vmul.u32 @!p0 $0x8, v6;
	v7 =	vperm.xlane @!p0 v3, v4  }
0x99: {  	s21 =	sadd.s32 $0x3, s20  }
0x9a: {  	s21 =	sand.u32 @!p0 $0x3, s21;
	v7 =	vadd.s32 @!p0 v6, v7  }
0x9b: {  	s21 =	smul.u32 @!p0 $0x14000, s21;
	v5 =	vor.u32 @!p0 $0x8, v5  }
0x9c: {  	v3 =	vperm.xlane @!p0 v3, v5  }
0x9d: {  	s21 =	sshrl.u32 @!p0 s21, $0x2  }
0x9e: {  	vm1 =	vmmov @!p0 $0xffff;
	s23 =	simm.s32 @!p0 $0x0;
	s22 =	sadd.s32 @!p0 $0x1300, s21;
	v3 =	vadd.s32 @!p0 v6, v3  }
0x9f: {  	[tilespmem:s22], [sflag:$0x1] =	stream.indirect_vreg.gather @!p0 [hbm4b:s3+s23], $0x80, v7, vm1, $0xb8;
	[tilespmem:$0x15300] =	vst v63  }
0xa0: {  	s22 =	sadd.s32 @!p0 $0x1B00, s21  }
0xa1: {  	[tilespmem:s22], [sflag:$0x1] =	stream.indirect_vreg.gather @!p0 [hbm4b:s5+s23], $0x80, v7, vm1, $0xb8;
	[tilespmem:$0x15300] =	vst v63  }
0xa2: {  	s22 =	sadd.s32 @!p0 $0x2300, s21  }
0xa3: {  	[tilespmem:s22], [sflag:$0x1] =	stream.indirect_vreg.gather @!p0 [hbm4b:s3+s23], $0x80, v3, vm1, $0xb8;
	[tilespmem:$0x15300] =	vst v63  }
0xa4: {  	s22 =	sadd.s32 @!p0 $0x2B00, s21  }
0xa5: {  	[tilespmem:s22], [sflag:$0x1] =	stream.indirect_vreg.gather @!p0 [hbm4b:s5+s23], $0x80, v3, vm1, $0xb8;
	[tilespmem:$0x15300] =	vst v63  }
0xa6: {  	v3 =	vld @!p0 [tilespmem:s18+$0xFFFFFFF0];
	_ =	sdelay $0x4  }
0xa7: {  	v7 =	vshll.u32 @!p0 v3, $0x2  }
0xa8: {  	v3 =	vand.u32 @!p0 $0x7, v3;
	v7 =	vand.u32 @!p0 $0xFFFFFFE0, v7  }
0xa9: {  	v3 =	vor.u32 @!p0 v3, v7  }
0xaa: {  	v7 =	vperm.xlane @!p0 v3, v4;
	_ =	sdelay $0x1  }
0xab: {  	v7 =	vadd.s32 @!p0 v6, v7;
	_ =	sdelay $0x1  }
0xac: {  	v3 =	vperm.xlane @!p0 v3, v5;
	_ =	sdelay $0x1  }
0xad: {  	s22 =	sadd.s32 @!p0 $0x3300, s21;
	v3 =	vadd.s32 @!p0 v6, v3  }
0xae: {  	[tilespmem:s22], [sflag:$0x1] =	stream.indirect_vreg.gather @!p0 [hbm4b:s3+s23], $0x80, v7, vm1, $0xb8;
	[tilespmem:$0x15300] =	vst v63  }
0xaf: {  	s22 =	sadd.s32 @!p0 $0x3B00, s21  }
0xb0: {  	[tilespmem:s22], [sflag:$0x1] =	stream.indirect_vreg.gather @!p0 [hbm4b:s5+s23], $0x80, v7, vm1, $0xb8;
	[tilespmem:$0x15300] =	vst v63  }
0xb1: {  	s22 =	sadd.s32 @!p0 $0x4300, s21  }
0xb2: {  	[tilespmem:s22], [sflag:$0x1] =	stream.indirect_vreg.gather @!p0 [hbm4b:s3+s23], $0x80, v3, vm1, $0xb8;
	[tilespmem:$0x15300] =	vst v63  }
0xb3: {  	s22 =	sadd.s32 @!p0 $0x4B00, s21  }
0xb4: {  	[tilespmem:s22], [sflag:$0x1] =	stream.indirect_vreg.gather @!p0 [hbm4b:s5+s23], $0x80, v3, vm1, $0xb8;
	[tilespmem:$0x15300] =	vst v63  }
0xb5: {  	v3 =	vld.msk @!p0 [tilespmem:s18+$0x0], $0xff;
	_ =	sdelay $0x4  }
0xb6: {  	v5 =	vshll.u32 @!p0 v3, $0x2  }
0xb7: {  	v3 =	vand.u32 @!p0 $0x7, v3;
	v5 =	vand.u32 @!p0 $0xFFFFFFE0, v5  }
0xb8: {  	v3 =	vor.u32 @!p0 v3, v5  }
0xb9: {  	v3 =	vperm.xlane @!p0 v3, v4;
	_ =	sdelay $0x1  }
0xba: {  	v3 =	vadd.s32 @!p0 v6, v3;
	_ =	sdelay $0x3  }
0xbb: {  	s22 =	sadd.s32 @!p0 $0x5300, s21  }
0xbc: {  	[tilespmem:s22], [sflag:$0x1] =	stream.indirect_vreg.gather @!p0 [hbm4b:s3+s23], $0x80, v3, vm1, $0xb8;
	[tilespmem:$0x15300] =	vst v63  }
0xbd: {  	s20 =	sadd.s32 $0x1, s20;
	s21 =	sadd.s32 @!p0 $0x5B00, s21  }
0xbe: {  	[tilespmem:s21], [sflag:$0x1] =	stream.indirect_vreg.gather @!p0 [hbm4b:s5+s23], $0x80, v3, vm1, $0xb8;
	[tilespmem:$0x15300] =	vst v63  }
0xbf: {  	p0 =	sne.s32 s20, $0x78  }
.Ltmp0:
0xc0: {  	_ = 	snop;
	(pc) =	sbr.rel @p0 .LBB2_2-.Ltmp0, $2  }
0xc1: {  	_ =	sdelay $0x2  }
0xc2: {  	s7 =	sadd.s32 $0xA00, s7;
	s18 =	sadd.s32 $0x28, s18  }
0xc3: {  	_ =	swait.ge [sflag:s16], $0x5000  }
0xc4: {  	[sflag:s16] =	ssyncset.done $0x0  }
0xc5: {  	[sflag:s16] =	ssyncadd.s32 $0xFFFFB000  }
0xc6: {  	_ =	swait.ge [sflag:s16], $0x5000  }
0xc7: {  	[sflag:s16] =	ssyncset.done $0x0  }
0xc8: {  	s17 =	sadd.s32 $0x1, s17;
	[sflag:s16] =	ssyncadd.s32 $0xFFFFB000  }
0xc9: {  	p0 =	sne.s32 s17, s6;
	_ =	swait.ge [sflag:s16], $0x5000  }
.Ltmp1:
0xca: {  	[sflag:s16] =	ssyncset.done $0x0;
	(pc) =	sbr.rel @p0 .LBB2_1-.Ltmp1, $4  }
0xcb: {  	[sflag:s16] =	ssyncadd.s32 $0xFFFFB000  }
0xcc: {  	_ =	swait.ge [sflag:s16], $0x5000  }
0xcd: {  	[sflag:s16] =	ssyncset.done $0x0  }
0xce: {  	[sflag:s16] =	ssyncadd.s32 $0xFFFFB000  }
0xcf: {  	_ =	sfence.sel $0x180000  }
0xd0: {  	[bflag:$0x0] =	sbarrier.arrive $0xFFFF  }
0xd1: {  	_ =	strace $0x90000047  }
0xd2: {  	s0 =	stileid.u32;
	[bflag:$0x2] =	sbarrier.arrive $0xFFFF  }
0xd3: {  	p0 =	sne.s32 s0, $0x0;
	s0 =	rddreg [dreg:$0x2]  }
0xd4: {  	s0 =	sadd.s32 @!p0 $0x100000, s0  }
0xd5: {  	[sflag:s0] =	ssyncadd.tile.s32 @!p0 $0x1;
	_ =	shalt  }
.Lfunc_end2:
_tile_overlayer_lowered:
.L_overlay_start_2:
0xd6: {  	(tag) =	ssettag $0x2  }
0xd7: {  	s0 =	rddreg [dreg:$0x0];
	s2 =	stileid.u32  }
0xd8: {  	s1 =	rddreg [dreg:$0x1];
	p0 =	sne.s32 s2, $0x0  }
0xd9: {  	s3 =	rddreg [dreg:$0x2];
	[bflag:$0x3] =	sbarrier.arrive $0xFFFF;
	s2 =	simm.s32 @!p0 $0x1C03  }
0xda: {  	[timem:s3], [sflag:s2] =	dma.local @!p0 [hbm:s0], s1  }
0xdb: {  	s0 =	simm.s32 @!p0 $0x3  }
0xdc: {  	_ =	swait.ge @!p0 [sflag:s0], s1  }
0xdd: {  	s1 =	ssub.s32 @!p0 $0x0, s1;
	[sflag:s0] =	ssyncset.done @!p0 $0x0  }
0xde: {  	[sflag:s0] =	ssyncadd.s32 @!p0 s1  }
0xdf: {  	[bflag:$0x3] =	sbarrier.arrive $0xFFFF  }
0xe0: {  	_ =	shalt  }

</sc_bundles>
